<compile_context>
chip_gen: v7x
topology: tpu7x:2x2x1
jax: 0.10.2.dev20260603
libtpu: 0.0.44.dev20260713+nightly
codegen_flags: <defaults>
</compile_context>

<pallas_src>
import jax
import jax.numpy as jnp
from jax import lax
from jax.experimental import pallas as pl
from jax.experimental.pallas import tpu as pltpu
from jax.experimental.pallas import tpu_sc as plsc

_N = 10000
_E = 320000
_IN = 128
_HID = 64
_TW = 128

_NTILES = 16
_EPT = _E // _NTILES
_SL = 125
_K = 8
_KH = 2
_CH = _SL * _K
_NCH = _EPT // _CH
_NPAD = 10240
_RPT = _NPAD // _NTILES



_BM_A = 2000


def _proj_body(x_ref, wp_ref, we_ref, bp_ref, out_ref):
    xb = x_ref[0]
    we = we_ref[0]
    m = jnp.dot(wp_ref[...], we, preferred_element_type=jnp.float32)
    c = jnp.dot(bp_ref[...], we, preferred_element_type=jnp.float32)
    g = jnp.dot(xb, m, preferred_element_type=jnp.float32) + c
    col = lax.broadcasted_iota(jnp.int32, (_BM_A, _TW - _HID), 1)
    pat = (col == 0).astype(jnp.float32)
    out_ref[...] = jnp.concatenate([g, pat], axis=1)


def _build_table(x_stacked, w_proj, w_enc_stacked, b_proj_2d):
    nb = _N // _BM_A
    return pl.pallas_call(
        _proj_body,
        grid=(2, 2, nb),
        in_specs=[
            pl.BlockSpec((1, _BM_A, _IN), lambda v, r, i: (v, i, 0)),
            pl.BlockSpec((_IN, _IN), lambda v, r, i: (0, 0)),
            pl.BlockSpec((1, _IN, _HID), lambda v, r, i: (r, 0, 0)),
            pl.BlockSpec((1, _IN), lambda v, r, i: (0, 0)),
        ],
        out_specs=pl.BlockSpec(
            (_BM_A, _TW), lambda v, r, i: ((v * 2 + r) * nb + i, 0)),
        out_shape=jax.ShapeDtypeStruct((4 * _N, _TW), jnp.float32),
    )(x_stacked, w_proj, w_enc_stacked, b_proj_2d)




def _sc_body(table, src_h, dst_h, zrows,
             s_out,
             acc, idx_s, idx_d, buf0, buf1, sem0, sem1):
    c = lax.axis_index("c")
    s = lax.axis_index("s")
    r0 = s * _RPT

    for r in range(2):
        pltpu.sync_copy(zrows, acc.at[pl.ds(r0, _RPT), :])
        plsc.subcore_barrier()

        def chunk_body(k, unused, r=r):
            q = s * _NCH + k
            bufs = (buf0, buf1)
            sems = (sem0, sem1)
            pltpu.sync_copy(src_h.at[c, r, q], idx_s)
            pltpu.sync_copy(dst_h.at[c, r, q], idx_d)
            cps = {0: pltpu.async_copy(table.at[idx_s.at[0]], bufs[0], sems[0])}
            for j in range(_K):
                cps[j].wait()
                if j + 1 < _K:
                    cps[j + 1] = pltpu.async_copy(
                        table.at[idx_s.at[j + 1]], bufs[(j + 1) % 2],
                        sems[(j + 1) % 2])
                pltpu.sync_copy(bufs[j % 2], acc.at[idx_d.at[j]], add=True)
            return unused

        lax.fori_loop(0, _NCH, chunk_body, 0)
        plsc.subcore_barrier()

        pltpu.sync_copy(acc.at[pl.ds(r0, _RPT), :],
                        s_out.at[c, r, pl.ds(r0, _RPT), :])
        plsc.subcore_barrier()


def _segment_sums(table, src5, dst5, zrows):
    f32 = jnp.float32
    run = pl.kernel(
        _sc_body,
        out_type=jax.ShapeDtypeStruct((2, 2, _NPAD, _TW), f32),
        mesh=plsc.VectorSubcoreMesh(core_axis_name="c", subcore_axis_name="s"),
        scratch_types=[
            pltpu.VMEM_SHARED((_NPAD, _TW), f32),
            pltpu.VMEM((_K, _SL), jnp.int32),
            pltpu.VMEM((_K, _SL), jnp.int32),
            pltpu.VMEM((_SL, _TW), f32),
            pltpu.VMEM((_SL, _TW), f32),
            pltpu.SemaphoreType.DMA,
            pltpu.SemaphoreType.DMA,
        ],
    )
    return run(table, src5, dst5, zrows)



_BM_C = 2000


def _fin_body(s_ref, benc_ref, attn_ref, wdec_ref, bdec_ref,
              z_ref, xh_ref):
    a0 = attn_ref[0]
    a1 = attn_ref[1]
    m = jnp.maximum(a0, a1)
    e0 = jnp.exp(a0 - m)
    e1 = jnp.exp(a1 - m)
    w0 = e0 / (e0 + e1)
    w1 = e1 / (e0 + e1)
    sr = s_ref[0]
    d0 = jnp.maximum(sr[0, :, _HID:_HID + 1], 1.0)
    d1 = jnp.maximum(sr[1, :, _HID:_HID + 1], 1.0)
    z0 = jnp.maximum(sr[0, :, 0:_HID] / d0 + benc_ref[0:1, :], 0.0)
    z1 = jnp.maximum(sr[1, :, 0:_HID] / d1 + benc_ref[1:2, :], 0.0)
    z = w0 * z0 + w1 * z1
    z_ref[...] = z
    xh_ref[...] = (jnp.dot(z, wdec_ref[...], preferred_element_type=jnp.float32)
                   + bdec_ref[0:1, :])


def _finalize(s_all, view, benc, attn, w_dec, bdec_2d):
    nb = _N // _BM_C
    return pl.pallas_call(
        _fin_body,
        grid=(nb,),
        in_specs=[
            pl.BlockSpec((1, 2, _BM_C, _TW), lambda i, v=view: (v, 0, i, 0)),
            pl.BlockSpec((2, _HID), lambda i: (0, 0)),
            pl.BlockSpec(memory_space=pltpu.SMEM),
            pl.BlockSpec((_HID, _IN), lambda i: (0, 0)),
            pl.BlockSpec((1, _IN), lambda i: (0, 0)),
        ],
        out_specs=[
            pl.BlockSpec((_BM_C, _HID), lambda i: (i, 0)),
            pl.BlockSpec((_BM_C, _IN), lambda i: (i, 0)),
        ],
        out_shape=[
            jax.ShapeDtypeStruct((_N, _HID), jnp.float32),
            jax.ShapeDtypeStruct((_N, _IN), jnp.float32),
        ],
    )(s_all, benc, attn, w_dec, bdec_2d)



_BM_D = 2048
_BN_D = 2048


def _adj_body(zi_ref, zj_ref, out_ref):
    x = lax.dot_general(zi_ref[...], zj_ref[...],
                        dimension_numbers=(((1,), (1,)), ((), ())),
                        preferred_element_type=jnp.float32)
    out_ref[...] = 0.5 * jnp.tanh(0.5 * x) + 0.5


def _adjacency(z):
    ni = pl.cdiv(_N, _BM_D)
    nj = pl.cdiv(_N, _BN_D)
    return pl.pallas_call(
        _adj_body,
        grid=(ni, nj),
        in_specs=[
            pl.BlockSpec((_BM_D, _HID), lambda i, j: (i, 0)),
            pl.BlockSpec((_BN_D, _HID), lambda i, j: (j, 0)),
        ],
        out_specs=pl.BlockSpec((_BM_D, _BN_D), lambda i, j: (i, j)),
        out_shape=jax.ShapeDtypeStruct((_N, _N), jnp.float32),
    )(z, z)




def kernel(x_view_A, edge_indices_A, x_view_B, edge_indices_B, W_proj, b_proj,
           W_enc0, b_enc0, W_enc1, b_enc1, attn_weights, W_dec, b_dec):
    f32 = jnp.float32

    x_stacked = jnp.stack([x_view_A, x_view_B])
    w_enc_stacked = jnp.stack([W_enc0, W_enc1])
    b_proj_2d = b_proj.reshape(1, _IN)
    bdec_2d = b_dec.reshape(1, _IN)
    benc = jnp.stack([b_enc0, b_enc1])

    ei = jnp.stack([edge_indices_A, edge_indices_B])
    table_off = (jnp.arange(2, dtype=jnp.int32)[:, None, None] * 2
                 + jnp.arange(2, dtype=jnp.int32)[None, :, None]) * _N
    src = ei[:, :, 0, :] + table_off
    dst = ei[:, :, 1, :]
    nchunks = _NTILES * _NCH
    src5 = src.reshape(2, 2, nchunks, _K, _SL)
    dst5 = dst.reshape(2, 2, nchunks, _K, _SL)

    zrows = jnp.zeros((_RPT, _TW), f32)

    table = _build_table(x_stacked, W_proj, w_enc_stacked, b_proj_2d)

    s_all = _segment_sums(table, src5, dst5, zrows)

    z_A, xh_A = _finalize(s_all, 0, benc, attn_weights, W_dec, bdec_2d)
    z_B, xh_B = _finalize(s_all, 1, benc, attn_weights, W_dec, bdec_2d)

    adj_A = _adjacency(z_A)
    adj_B = _adjacency(z_B)

    return ((xh_A, adj_A), (xh_B, adj_B), (z_A, z_B))

# --- scband reference (transcript-rebuilt; emitter-appended) ---
"""Pipeline reference for scband-hcgad-46866683134374 (READ-ONLY COPY).

The authoritative reference and input builder live on the scoring server;
editing this copy changes nothing except your own understanding.
"""

import jax, jax.numpy as jnp
import numpy as np

N = 10000
E = 320000
IN_DIM = 128
PROJ_DIM = 128
HID_DIM = 64


def setup_inputs(seed: int = 0) -> dict:
    key = jax.random.key(seed)
    ks = jax.random.split(key, 13)
    inp = {}
    inp["x_view_A"] = jax.random.normal(ks[0], (N, IN_DIM), dtype=jnp.float32)
    inp["edge_indices_A"] = jax.random.randint(ks[1], (2, 2, E), 0, N, dtype=jnp.int32)
    inp["x_view_B"] = jax.random.normal(ks[2], (N, IN_DIM), dtype=jnp.float32)
    inp["edge_indices_B"] = jax.random.randint(ks[3], (2, 2, E), 0, N, dtype=jnp.int32)
    inp["W_proj"] = jax.random.normal(ks[4], (IN_DIM, PROJ_DIM), dtype=jnp.float32) / np.sqrt(IN_DIM)
    inp["b_proj"] = jnp.zeros((PROJ_DIM,), dtype=jnp.float32)
    inp["W_enc0"] = jax.random.normal(ks[5], (PROJ_DIM, HID_DIM), dtype=jnp.float32) / np.sqrt(PROJ_DIM)
    inp["b_enc0"] = jnp.zeros((HID_DIM,), dtype=jnp.float32)
    inp["W_enc1"] = jax.random.normal(ks[6], (PROJ_DIM, HID_DIM), dtype=jnp.float32) / np.sqrt(PROJ_DIM)
    inp["b_enc1"] = jnp.zeros((HID_DIM,), dtype=jnp.float32)
    inp["attn_weights"] = jnp.ones((2,), dtype=jnp.float32)
    inp["W_dec"] = jax.random.normal(ks[7], (HID_DIM, PROJ_DIM), dtype=jnp.float32) / np.sqrt(HID_DIM)
    inp["b_dec"] = jnp.zeros((PROJ_DIM,), dtype=jnp.float32)
    return inp


def _gcn_layer(h, edge_index, W, b):
    src = edge_index[0]
    dst = edge_index[1]
    msg = jnp.take(h, src, axis=0)
    agg = jax.ops.segment_sum(msg, dst, num_segments=N)
    deg = jax.ops.segment_sum(jnp.ones((src.shape[0], 1), dtype=h.dtype), dst, num_segments=N)
    agg = agg / jnp.maximum(deg, 1.0)
    return jax.nn.relu(agg @ W + b)


def _encode(h, edge_indices, W_enc0, b_enc0, W_enc1, b_enc1, attn_weights):
    z0 = _gcn_layer(h, edge_indices[0], W_enc0, b_enc0)
    z1 = _gcn_layer(h, edge_indices[1], W_enc1, b_enc1)
    w = jax.nn.softmax(attn_weights)
    return w[0] * z0 + w[1] * z1


def _decode(z, W_dec, b_dec):
    x_hat = z @ W_dec + b_dec
    adj_hat = jax.nn.sigmoid(z @ z.T)
    return x_hat, adj_hat


def reference(x_view_A, edge_indices_A, x_view_B, edge_indices_B, W_proj, b_proj, W_enc0, b_enc0, W_enc1, b_enc1, attn_weights, W_dec, b_dec):
    h_A = x_view_A @ W_proj + b_proj
    h_B = x_view_B @ W_proj + b_proj
    z_A = _encode(h_A, edge_indices_A, W_enc0, b_enc0, W_enc1, b_enc1, attn_weights)
    z_B = _encode(h_B, edge_indices_B, W_enc0, b_enc0, W_enc1, b_enc1, attn_weights)
    x_hat_A, adj_hat_A = _decode(z_A, W_dec, b_dec)
    x_hat_B, adj_hat_B = _decode(z_B, W_dec, b_dec)
    return ((x_hat_A, adj_hat_A), (x_hat_B, adj_hat_B), (z_A, z_B))

if __name__ == "__main__":
    import jax
    _d = setup_inputs()
    print(jax.jit(kernel)(*tuple(_d.values())))

</pallas_src>

<mosaic_0001>
#map = affine_map<(d0, d1) -> (0, 0)>
#map1 = affine_map<(d0, d1) -> (0, 0, 0, 0, 0)>
#map2 = affine_map<(d0, d1) -> (0, 0, 0, 0)>
module attributes {stable_mosaic.version = 14 : i64} {
  func.func @_sc_body(%arg0: i32, %arg1: i32, %arg2: memref<40000x128xf32, #tpu.memory_space<hbm>>, %arg3: memref<2x2x320x8x125xi32, #tpu.memory_space<hbm>>, %arg4: memref<2x2x320x8x125xi32, #tpu.memory_space<hbm>>, %arg5: memref<640x128xf32, #tpu.memory_space<hbm>>, %arg6: memref<2x2x10240x128xf32, #tpu.memory_space<hbm>>, %arg7: memref<10240x128xf32, #tpu.memory_space<vmem_shared>>, %arg8: memref<8x125xi32, #tpu.memory_space<vmem>>, %arg9: memref<8x125xi32, #tpu.memory_space<vmem>>, %arg10: memref<125x128xf32, #tpu.memory_space<vmem>>, %arg11: memref<125x128xf32, #tpu.memory_space<vmem>>, %arg12: memref<!tpu.dma_semaphore, #tpu.memory_space<semaphore_mem>>, %arg13: memref<!tpu.dma_semaphore, #tpu.memory_space<semaphore_mem>>) attributes {dimension_semantics = [#tpu.dimension_semantics<core_parallel>, #tpu.dimension_semantics<subcore_parallel>], iteration_bounds = array<i64: 2, 16>, scalar_prefetch = 0 : i64, scratch_operands = 7 : i64, tpu.core_type = #tpu.core_type<sc_vector_subcore>, window_params = [{transform_indices = #map}, {transform_indices = #map1}, {transform_indices = #map1}, {transform_indices = #map}, {transform_indices = #map2}]} {
    %mul3A = arith.constant 640 : i32
    %mul3A_0 = arith.muli %arg1, %mul3A : i32
    "tpu.region"() ({
      %run_scoped3A_18 = tpu.sem_alloc : memref<!tpu.dma_semaphore, #tpu.memory_space<semaphore_mem>>
      %dma_start3A = arith.constant 0 : i32
      %dma_start3A_19 = tpu.memref_slice %arg7[%mul3A_0, %dma_start3A] : memref<10240x128xf32, #tpu.memory_space<vmem_shared>> -> memref<640x128xf32, #tpu.memory_space<vmem_shared>>
      tpu.enqueue_dma source(%arg5 : memref<640x128xf32, #tpu.memory_space<hbm>>) target(%dma_start3A_19 : memref<640x128xf32, #tpu.memory_space<vmem_shared>>) target_semaphore(%run_scoped3A_18 : memref<!tpu.dma_semaphore, #tpu.memory_space<semaphore_mem>>)
      %dma_wait3A = arith.constant 0 : i32
      %dma_wait3A_20 = tpu.memref_slice %arg7[%mul3A_0, %dma_wait3A] : memref<10240x128xf32, #tpu.memory_space<vmem_shared>> -> memref<640x128xf32, #tpu.memory_space<vmem_shared>>
      tpu.wait_dma2 semaphore(%run_scoped3A_18 : memref<!tpu.dma_semaphore, #tpu.memory_space<semaphore_mem>>) src(%arg5 : memref<640x128xf32, #tpu.memory_space<hbm>>) dst(%dma_wait3A_20 : memref<640x128xf32, #tpu.memory_space<vmem_shared>>)
      tpu.yield
    }) : () -> ()
    %barrier3A = arith.constant 0 : index
    tpu.barrier barrier_id(%barrier3A)
    %scan3A = arith.constant 0 : i32
    %scan3A_1 = arith.constant 0 : i32
    %scan3A_2 = arith.constant 20 : i32
    %scan3A_3 = arith.addi %scan3A_1, %scan3A_2 : i32
    %scan3A_4 = arith.constant 1 : i32
    scf.for %scan3A_18 = %scan3A_1 to %scan3A_3 step %scan3A_4  : i32 {
      %mul3A_19 = arith.constant 20 : i32
      %mul3A_20 = arith.muli %arg1, %mul3A_19 : i32
      %add3A = arith.addi %mul3A_20, %scan3A_18 : i32
      %run_scoped3A_21 = arith.constant 0 : i32
      "tpu.region"() ({
        %run_scoped3A_141 = tpu.sem_alloc : memref<!tpu.dma_semaphore, #tpu.memory_space<semaphore_mem>>
        %dma_start3A_142 = arith.constant 0 : i32
        %dma_start3A_143 = arith.constant 0 : i32
        %dma_start3A_144 = tpu.memref_slice %arg3[%arg0, %run_scoped3A_21, %add3A, %dma_start3A_142, %dma_start3A_143] : memref<2x2x320x8x125xi32, #tpu.memory_space<hbm>> -> memref<1x1x1x8x125xi32, #tpu.memory_space<hbm>>
        %dma_start3A_145 = tpu.memref_squeeze %dma_start3A_144 : memref<1x1x1x8x125xi32, #tpu.memory_space<hbm>> -> memref<8x125xi32, #tpu.memory_space<hbm>>
        %dma_start3A_146 = arith.constant 0 : i32
        %dma_start3A_147 = arith.constant 0 : i32
        %dma_start3A_148 = tpu.memref_slice %arg3[%arg0, %run_scoped3A_21, %add3A, %dma_start3A_146, %dma_start3A_147] : memref<2x2x320x8x125xi32, #tpu.memory_space<hbm>> -> memref<1x1x1x8x125xi32, #tpu.memory_space<hbm>>
        %dma_start3A_149 = tpu.memref_squeeze %dma_start3A_148 : memref<1x1x1x8x125xi32, #tpu.memory_space<hbm>> -> memref<8x125xi32, #tpu.memory_space<hbm>>
        tpu.enqueue_dma source(%dma_start3A_149 : memref<8x125xi32, #tpu.memory_space<hbm>>) target(%arg8 : memref<8x125xi32, #tpu.memory_space<vmem>>) target_semaphore(%run_scoped3A_141 : memref<!tpu.dma_semaphore, #tpu.memory_space<semaphore_mem>>)
        %dma_wait3A_150 = arith.constant 0 : i32
        %dma_wait3A_151 = arith.constant 0 : i32
        %dma_wait3A_152 = tpu.memref_slice %arg3[%arg0, %run_scoped3A_21, %add3A, %dma_wait3A_150, %dma_wait3A_151] : memref<2x2x320x8x125xi32, #tpu.memory_space<hbm>> -> memref<1x1x1x8x125xi32, #tpu.memory_space<hbm>>
        %dma_wait3A_153 = tpu.memref_squeeze %dma_wait3A_152 : memref<1x1x1x8x125xi32, #tpu.memory_space<hbm>> -> memref<8x125xi32, #tpu.memory_space<hbm>>
        %dma_wait3A_154 = arith.constant 0 : i32
        %dma_wait3A_155 = arith.constant 0 : i32
        %dma_wait3A_156 = tpu.memref_slice %arg3[%arg0, %run_scoped3A_21, %add3A, %dma_wait3A_154, %dma_wait3A_155] : memref<2x2x320x8x125xi32, #tpu.memory_space<hbm>> -> memref<1x1x1x8x125xi32, #tpu.memory_space<hbm>>
        %dma_wait3A_157 = tpu.memref_squeeze %dma_wait3A_156 : memref<1x1x1x8x125xi32, #tpu.memory_space<hbm>> -> memref<8x125xi32, #tpu.memory_space<hbm>>
        tpu.wait_dma2 semaphore(%run_scoped3A_141 : memref<!tpu.dma_semaphore, #tpu.memory_space<semaphore_mem>>) src(%dma_wait3A_157 : memref<8x125xi32, #tpu.memory_space<hbm>>) dst(%arg8 : memref<8x125xi32, #tpu.memory_space<vmem>>)
        tpu.yield
      }) : () -> ()
      %run_scoped3A_22 = arith.constant 0 : i32
      "tpu.region"() ({
        %run_scoped3A_141 = tpu.sem_alloc : memref<!tpu.dma_semaphore, #tpu.memory_space<semaphore_mem>>
        %dma_start3A_142 = arith.constant 0 : i32
        %dma_start3A_143 = arith.constant 0 : i32
        %dma_start3A_144 = tpu.memref_slice %arg4[%arg0, %run_scoped3A_22, %add3A, %dma_start3A_142, %dma_start3A_143] : memref<2x2x320x8x125xi32, #tpu.memory_space<hbm>> -> memref<1x1x1x8x125xi32, #tpu.memory_space<hbm>>
        %dma_start3A_145 = tpu.memref_squeeze %dma_start3A_144 : memref<1x1x1x8x125xi32, #tpu.memory_space<hbm>> -> memref<8x125xi32, #tpu.memory_space<hbm>>
        %dma_start3A_146 = arith.constant 0 : i32
        %dma_start3A_147 = arith.constant 0 : i32
        %dma_start3A_148 = tpu.memref_slice %arg4[%arg0, %run_scoped3A_22, %add3A, %dma_start3A_146, %dma_start3A_147] : memref<2x2x320x8x125xi32, #tpu.memory_space<hbm>> -> memref<1x1x1x8x125xi32, #tpu.memory_space<hbm>>
        %dma_start3A_149 = tpu.memref_squeeze %dma_start3A_148 : memref<1x1x1x8x125xi32, #tpu.memory_space<hbm>> -> memref<8x125xi32, #tpu.memory_space<hbm>>
        tpu.enqueue_dma source(%dma_start3A_149 : memref<8x125xi32, #tpu.memory_space<hbm>>) target(%arg9 : memref<8x125xi32, #tpu.memory_space<vmem>>) target_semaphore(%run_scoped3A_141 : memref<!tpu.dma_semaphore, #tpu.memory_space<semaphore_mem>>)
        %dma_wait3A_150 = arith.constant 0 : i32
        %dma_wait3A_151 = arith.constant 0 : i32
        %dma_wait3A_152 = tpu.memref_slice %arg4[%arg0, %run_scoped3A_22, %add3A, %dma_wait3A_150, %dma_wait3A_151] : memref<2x2x320x8x125xi32, #tpu.memory_space<hbm>> -> memref<1x1x1x8x125xi32, #tpu.memory_space<hbm>>
        %dma_wait3A_153 = tpu.memref_squeeze %dma_wait3A_152 : memref<1x1x1x8x125xi32, #tpu.memory_space<hbm>> -> memref<8x125xi32, #tpu.memory_space<hbm>>
        %dma_wait3A_154 = arith.constant 0 : i32
        %dma_wait3A_155 = arith.constant 0 : i32
        %dma_wait3A_156 = tpu.memref_slice %arg4[%arg0, %run_scoped3A_22, %add3A, %dma_wait3A_154, %dma_wait3A_155] : memref<2x2x320x8x125xi32, #tpu.memory_space<hbm>> -> memref<1x1x1x8x125xi32, #tpu.memory_space<hbm>>
        %dma_wait3A_157 = tpu.memref_squeeze %dma_wait3A_156 : memref<1x1x1x8x125xi32, #tpu.memory_space<hbm>> -> memref<8x125xi32, #tpu.memory_space<hbm>>
        tpu.wait_dma2 semaphore(%run_scoped3A_141 : memref<!tpu.dma_semaphore, #tpu.memory_space<semaphore_mem>>) src(%dma_wait3A_157 : memref<8x125xi32, #tpu.memory_space<hbm>>) dst(%arg9 : memref<8x125xi32, #tpu.memory_space<vmem>>)
        tpu.yield
      }) : () -> ()
      %dma_start3A = arith.constant 0 : i32
      %dma_start3A_23 = arith.constant 0 : i32
      %dma_start3A_24 = tpu.memref_slice %arg8[%dma_start3A, %dma_start3A_23] : memref<8x125xi32, #tpu.memory_space<vmem>> -> memref<1x125xi32, #tpu.memory_space<vmem>>
      %dma_start3A_25 = tpu.memref_squeeze %dma_start3A_24 : memref<1x125xi32, #tpu.memory_space<vmem>> -> memref<125xi32, #tpu.memory_space<vmem>>
      %dma_start3A_26 = arith.constant 0 : i32
      %dma_start3A_27 = arith.constant 0 : i32
      %dma_start3A_28 = tpu.memref_slice %arg2[%dma_start3A_26, %dma_start3A_27] : memref<40000x128xf32, #tpu.memory_space<hbm>> -> memref<40000x128xf32, #tpu.memory_space<hbm>>
      tpu.enqueue_indirect_dma source(%dma_start3A_28 : memref<40000x128xf32, #tpu.memory_space<hbm>>) target(%arg10 : memref<125x128xf32, #tpu.memory_space<vmem>>) offsets(%dma_start3A_25 : memref<125xi32, #tpu.memory_space<vmem>>) semaphore(%arg12 : memref<!tpu.dma_semaphore, #tpu.memory_space<semaphore_mem>>)
      %dma_wait3A = arith.constant 0 : i32
      %dma_wait3A_29 = arith.constant 0 : i32
      %dma_wait3A_30 = tpu.memref_slice %arg8[%dma_wait3A, %dma_wait3A_29] : memref<8x125xi32, #tpu.memory_space<vmem>> -> memref<1x125xi32, #tpu.memory_space<vmem>>
      %dma_wait3A_31 = tpu.memref_squeeze %dma_wait3A_30 : memref<1x125xi32, #tpu.memory_space<vmem>> -> memref<125xi32, #tpu.memory_space<vmem>>
      %dma_wait3A_32 = arith.constant 0 : i32
      %dma_wait3A_33 = arith.constant 0 : i32
      %dma_wait3A_34 = tpu.memref_slice %arg2[%dma_wait3A_32, %dma_wait3A_33] : memref<40000x128xf32, #tpu.memory_space<hbm>> -> memref<40000x128xf32, #tpu.memory_space<hbm>>
      tpu.wait_indirect_dma semaphore(%arg12 : memref<!tpu.dma_semaphore, #tpu.memory_space<semaphore_mem>>) src(%dma_wait3A_34 : memref<40000x128xf32, #tpu.memory_space<hbm>>) dst(%arg10 : memref<125x128xf32, #tpu.memory_space<vmem>>)
      %dma_start3A_35 = arith.constant 1 : i32
      %dma_start3A_36 = arith.constant 0 : i32
      %dma_start3A_37 = tpu.memref_slice %arg8[%dma_start3A_35, %dma_start3A_36] : memref<8x125xi32, #tpu.memory_space<vmem>> -> memref<1x125xi32, #tpu.memory_space<vmem>>
      %dma_start3A_38 = tpu.memref_squeeze %dma_start3A_37 : memref<1x125xi32, #tpu.memory_space<vmem>> -> memref<125xi32, #tpu.memory_space<vmem>>
      %dma_start3A_39 = arith.constant 0 : i32
      %dma_start3A_40 = arith.constant 0 : i32
      %dma_start3A_41 = tpu.memref_slice %arg2[%dma_start3A_39, %dma_start3A_40] : memref<40000x128xf32, #tpu.memory_space<hbm>> -> memref<40000x128xf32, #tpu.memory_space<hbm>>
      tpu.enqueue_indirect_dma source(%dma_start3A_41 : memref<40000x128xf32, #tpu.memory_space<hbm>>) target(%arg11 : memref<125x128xf32, #tpu.memory_space<vmem>>) offsets(%dma_start3A_38 : memref<125xi32, #tpu.memory_space<vmem>>) semaphore(%arg13 : memref<!tpu.dma_semaphore, #tpu.memory_space<semaphore_mem>>)
      %run_scoped3A_42 = arith.constant 0 : i32
      "tpu.region"() ({
        %run_scoped3A_141 = tpu.sem_alloc : memref<!tpu.dma_semaphore, #tpu.memory_space<semaphore_mem>>
        %dma_start3A_142 = arith.constant 0 : i32
        %dma_start3A_143 = tpu.memref_slice %arg9[%run_scoped3A_42, %dma_start3A_142] : memref<8x125xi32, #tpu.memory_space<vmem>> -> memref<1x125xi32, #tpu.memory_space<vmem>>
        %dma_start3A_144 = tpu.memref_squeeze %dma_start3A_143 : memref<1x125xi32, #tpu.memory_space<vmem>> -> memref<125xi32, #tpu.memory_space<vmem>>
        %dma_start3A_145 = arith.constant 0 : i32
        %dma_start3A_146 = arith.constant 0 : i32
        %dma_start3A_147 = tpu.memref_slice %arg7[%dma_start3A_145, %dma_start3A_146] : memref<10240x128xf32, #tpu.memory_space<vmem_shared>> -> memref<10240x128xf32, #tpu.memory_space<vmem_shared>>
        tpu.enqueue_indirect_dma source(%arg10 : memref<125x128xf32, #tpu.memory_space<vmem>>) target(%dma_start3A_147 : memref<10240x128xf32, #tpu.memory_space<vmem_shared>>) offsets(%dma_start3A_144 : memref<125xi32, #tpu.memory_space<vmem>>) semaphore(%run_scoped3A_141 : memref<!tpu.dma_semaphore, #tpu.memory_space<semaphore_mem>>) {add = true}
        %dma_wait3A_148 = arith.constant 0 : i32
        %dma_wait3A_149 = tpu.memref_slice %arg9[%run_scoped3A_42, %dma_wait3A_148] : memref<8x125xi32, #tpu.memory_space<vmem>> -> memref<1x125xi32, #tpu.memory_space<vmem>>
        %dma_wait3A_150 = tpu.memref_squeeze %dma_wait3A_149 : memref<1x125xi32, #tpu.memory_space<vmem>> -> memref<125xi32, #tpu.memory_space<vmem>>
        %dma_wait3A_151 = arith.constant 0 : i32
        %dma_wait3A_152 = arith.constant 0 : i32
        %dma_wait3A_153 = tpu.memref_slice %arg7[%dma_wait3A_151, %dma_wait3A_152] : memref<10240x128xf32, #tpu.memory_space<vmem_shared>> -> memref<10240x128xf32, #tpu.memory_space<vmem_shared>>
        tpu.wait_indirect_dma semaphore(%run_scoped3A_141 : memref<!tpu.dma_semaphore, #tpu.memory_space<semaphore_mem>>) src(%arg10 : memref<125x128xf32, #tpu.memory_space<vmem>>) dst(%dma_wait3A_153 : memref<10240x128xf32, #tpu.memory_space<vmem_shared>>)
        tpu.yield
      }) : () -> ()
      %dma_wait3A_43 = arith.constant 1 : i32
      %dma_wait3A_44 = arith.constant 0 : i32
      %dma_wait3A_45 = tpu.memref_slice %arg8[%dma_wait3A_43, %dma_wait3A_44] : memref<8x125xi32, #tpu.memory_space<vmem>> -> memref<1x125xi32, #tpu.memory_space<vmem>>
      %dma_wait3A_46 = tpu.memref_squeeze %dma_wait3A_45 : memref<1x125xi32, #tpu.memory_space<vmem>> -> memref<125xi32, #tpu.memory_space<vmem>>
      %dma_wait3A_47 = arith.constant 0 : i32
      %dma_wait3A_48 = arith.constant 0 : i32
      %dma_wait3A_49 = tpu.memref_slice %arg2[%dma_wait3A_47, %dma_wait3A_48] : memref<40000x128xf32, #tpu.memory_space<hbm>> -> memref<40000x128xf32, #tpu.memory_space<hbm>>
      tpu.wait_indirect_dma semaphore(%arg13 : memref<!tpu.dma_semaphore, #tpu.memory_space<semaphore_mem>>) src(%dma_wait3A_49 : memref<40000x128xf32, #tpu.memory_space<hbm>>) dst(%arg11 : memref<125x128xf32, #tpu.memory_space<vmem>>)
      %dma_start3A_50 = arith.constant 2 : i32
      %dma_start3A_51 = arith.constant 0 : i32
      %dma_start3A_52 = tpu.memref_slice %arg8[%dma_start3A_50, %dma_start3A_51] : memref<8x125xi32, #tpu.memory_space<vmem>> -> memref<1x125xi32, #tpu.memory_space<vmem>>
      %dma_start3A_53 = tpu.memref_squeeze %dma_start3A_52 : memref<1x125xi32, #tpu.memory_space<vmem>> -> memref<125xi32, #tpu.memory_space<vmem>>
      %dma_start3A_54 = arith.constant 0 : i32
      %dma_start3A_55 = arith.constant 0 : i32
      %dma_start3A_56 = tpu.memref_slice %arg2[%dma_start3A_54, %dma_start3A_55] : memref<40000x128xf32, #tpu.memory_space<hbm>> -> memref<40000x128xf32, #tpu.memory_space<hbm>>
      tpu.enqueue_indirect_dma source(%dma_start3A_56 : memref<40000x128xf32, #tpu.memory_space<hbm>>) target(%arg10 : memref<125x128xf32, #tpu.memory_space<vmem>>) offsets(%dma_start3A_53 : memref<125xi32, #tpu.memory_space<vmem>>) semaphore(%arg12 : memref<!tpu.dma_semaphore, #tpu.memory_space<semaphore_mem>>)
      %run_scoped3A_57 = arith.constant 1 : i32
      "tpu.region"() ({
        %run_scoped3A_141 = tpu.sem_alloc : memref<!tpu.dma_semaphore, #tpu.memory_space<semaphore_mem>>
        %dma_start3A_142 = arith.constant 0 : i32
        %dma_start3A_143 = tpu.memref_slice %arg9[%run_scoped3A_57, %dma_start3A_142] : memref<8x125xi32, #tpu.memory_space<vmem>> -> memref<1x125xi32, #tpu.memory_space<vmem>>
        %dma_start3A_144 = tpu.memref_squeeze %dma_start3A_143 : memref<1x125xi32, #tpu.memory_space<vmem>> -> memref<125xi32, #tpu.memory_space<vmem>>
        %dma_start3A_145 = arith.constant 0 : i32
        %dma_start3A_146 = arith.constant 0 : i32
        %dma_start3A_147 = tpu.memref_slice %arg7[%dma_start3A_145, %dma_start3A_146] : memref<10240x128xf32, #tpu.memory_space<vmem_shared>> -> memref<10240x128xf32, #tpu.memory_space<vmem_shared>>
        tpu.enqueue_indirect_dma source(%arg11 : memref<125x128xf32, #tpu.memory_space<vmem>>) target(%dma_start3A_147 : memref<10240x128xf32, #tpu.memory_space<vmem_shared>>) offsets(%dma_start3A_144 : memref<125xi32, #tpu.memory_space<vmem>>) semaphore(%run_scoped3A_141 : memref<!tpu.dma_semaphore, #tpu.memory_space<semaphore_mem>>) {add = true}
        %dma_wait3A_148 = arith.constant 0 : i32
        %dma_wait3A_149 = tpu.memref_slice %arg9[%run_scoped3A_57, %dma_wait3A_148] : memref<8x125xi32, #tpu.memory_space<vmem>> -> memref<1x125xi32, #tpu.memory_space<vmem>>
        %dma_wait3A_150 = tpu.memref_squeeze %dma_wait3A_149 : memref<1x125xi32, #tpu.memory_space<vmem>> -> memref<125xi32, #tpu.memory_space<vmem>>
        %dma_wait3A_151 = arith.constant 0 : i32
        %dma_wait3A_152 = arith.constant 0 : i32
        %dma_wait3A_153 = tpu.memref_slice %arg7[%dma_wait3A_151, %dma_wait3A_152] : memref<10240x128xf32, #tpu.memory_space<vmem_shared>> -> memref<10240x128xf32, #tpu.memory_space<vmem_shared>>
        tpu.wait_indirect_dma semaphore(%run_scoped3A_141 : memref<!tpu.dma_semaphore, #tpu.memory_space<semaphore_mem>>) src(%arg11 : memref<125x128xf32, #tpu.memory_space<vmem>>) dst(%dma_wait3A_153 : memref<10240x128xf32, #tpu.memory_space<vmem_shared>>)
        tpu.yield
      }) : () -> ()
      %dma_wait3A_58 = arith.constant 2 : i32
      %dma_wait3A_59 = arith.constant 0 : i32
      %dma_wait3A_60 = tpu.memref_slice %arg8[%dma_wait3A_58, %dma_wait3A_59] : memref<8x125xi32, #tpu.memory_space<vmem>> -> memref<1x125xi32, #tpu.memory_space<vmem>>
      %dma_wait3A_61 = tpu.memref_squeeze %dma_wait3A_60 : memref<1x125xi32, #tpu.memory_space<vmem>> -> memref<125xi32, #tpu.memory_space<vmem>>
      %dma_wait3A_62 = arith.constant 0 : i32
      %dma_wait3A_63 = arith.constant 0 : i32
      %dma_wait3A_64 = tpu.memref_slice %arg2[%dma_wait3A_62, %dma_wait3A_63] : memref<40000x128xf32, #tpu.memory_space<hbm>> -> memref<40000x128xf32, #tpu.memory_space<hbm>>
      tpu.wait_indirect_dma semaphore(%arg12 : memref<!tpu.dma_semaphore, #tpu.memory_space<semaphore_mem>>) src(%dma_wait3A_64 : memref<40000x128xf32, #tpu.memory_space<hbm>>) dst(%arg10 : memref<125x128xf32, #tpu.memory_space<vmem>>)
      %dma_start3A_65 = arith.constant 3 : i32
      %dma_start3A_66 = arith.constant 0 : i32
      %dma_start3A_67 = tpu.memref_slice %arg8[%dma_start3A_65, %dma_start3A_66] : memref<8x125xi32, #tpu.memory_space<vmem>> -> memref<1x125xi32, #tpu.memory_space<vmem>>
      %dma_start3A_68 = tpu.memref_squeeze %dma_start3A_67 : memref<1x125xi32, #tpu.memory_space<vmem>> -> memref<125xi32, #tpu.memory_space<vmem>>
      %dma_start3A_69 = arith.constant 0 : i32
      %dma_start3A_70 = arith.constant 0 : i32
      %dma_start3A_71 = tpu.memref_slice %arg2[%dma_start3A_69, %dma_start3A_70] : memref<40000x128xf32, #tpu.memory_space<hbm>> -> memref<40000x128xf32, #tpu.memory_space<hbm>>
      tpu.enqueue_indirect_dma source(%dma_start3A_71 : memref<40000x128xf32, #tpu.memory_space<hbm>>) target(%arg11 : memref<125x128xf32, #tpu.memory_space<vmem>>) offsets(%dma_start3A_68 : memref<125xi32, #tpu.memory_space<vmem>>) semaphore(%arg13 : memref<!tpu.dma_semaphore, #tpu.memory_space<semaphore_mem>>)
      %run_scoped3A_72 = arith.constant 2 : i32
      "tpu.region"() ({
        %run_scoped3A_141 = tpu.sem_alloc : memref<!tpu.dma_semaphore, #tpu.memory_space<semaphore_mem>>
        %dma_start3A_142 = arith.constant 0 : i32
        %dma_start3A_143 = tpu.memref_slice %arg9[%run_scoped3A_72, %dma_start3A_142] : memref<8x125xi32, #tpu.memory_space<vmem>> -> memref<1x125xi32, #tpu.memory_space<vmem>>
        %dma_start3A_144 = tpu.memref_squeeze %dma_start3A_143 : memref<1x125xi32, #tpu.memory_space<vmem>> -> memref<125xi32, #tpu.memory_space<vmem>>
        %dma_start3A_145 = arith.constant 0 : i32
        %dma_start3A_146 = arith.constant 0 : i32
        %dma_start3A_147 = tpu.memref_slice %arg7[%dma_start3A_145, %dma_start3A_146] : memref<10240x128xf32, #tpu.memory_space<vmem_shared>> -> memref<10240x128xf32, #tpu.memory_space<vmem_shared>>
        tpu.enqueue_indirect_dma source(%arg10 : memref<125x128xf32, #tpu.memory_space<vmem>>) target(%dma_start3A_147 : memref<10240x128xf32, #tpu.memory_space<vmem_shared>>) offsets(%dma_start3A_144 : memref<125xi32, #tpu.memory_space<vmem>>) semaphore(%run_scoped3A_141 : memref<!tpu.dma_semaphore, #tpu.memory_space<semaphore_mem>>) {add = true}
        %dma_wait3A_148 = arith.constant 0 : i32
        %dma_wait3A_149 = tpu.memref_slice %arg9[%run_scoped3A_72, %dma_wait3A_148] : memref<8x125xi32, #tpu.memory_space<vmem>> -> memref<1x125xi32, #tpu.memory_space<vmem>>
        %dma_wait3A_150 = tpu.memref_squeeze %dma_wait3A_149 : memref<1x125xi32, #tpu.memory_space<vmem>> -> memref<125xi32, #tpu.memory_space<vmem>>
        %dma_wait3A_151 = arith.constant 0 : i32
        %dma_wait3A_152 = arith.constant 0 : i32
        %dma_wait3A_153 = tpu.memref_slice %arg7[%dma_wait3A_151, %dma_wait3A_152] : memref<10240x128xf32, #tpu.memory_space<vmem_shared>> -> memref<10240x128xf32, #tpu.memory_space<vmem_shared>>
        tpu.wait_indirect_dma semaphore(%run_scoped3A_141 : memref<!tpu.dma_semaphore, #tpu.memory_space<semaphore_mem>>) src(%arg10 : memref<125x128xf32, #tpu.memory_space<vmem>>) dst(%dma_wait3A_153 : memref<10240x128xf32, #tpu.memory_space<vmem_shared>>)
        tpu.yield
      }) : () -> ()
      %dma_wait3A_73 = arith.constant 3 : i32
      %dma_wait3A_74 = arith.constant 0 : i32
      %dma_wait3A_75 = tpu.memref_slice %arg8[%dma_wait3A_73, %dma_wait3A_74] : memref<8x125xi32, #tpu.memory_space<vmem>> -> memref<1x125xi32, #tpu.memory_space<vmem>>
      %dma_wait3A_76 = tpu.memref_squeeze %dma_wait3A_75 : memref<1x125xi32, #tpu.memory_space<vmem>> -> memref<125xi32, #tpu.memory_space<vmem>>
      %dma_wait3A_77 = arith.constant 0 : i32
      %dma_wait3A_78 = arith.constant 0 : i32
      %dma_wait3A_79 = tpu.memref_slice %arg2[%dma_wait3A_77, %dma_wait3A_78] : memref<40000x128xf32, #tpu.memory_space<hbm>> -> memref<40000x128xf32, #tpu.memory_space<hbm>>
      tpu.wait_indirect_dma semaphore(%arg13 : memref<!tpu.dma_semaphore, #tpu.memory_space<semaphore_mem>>) src(%dma_wait3A_79 : memref<40000x128xf32, #tpu.memory_space<hbm>>) dst(%arg11 : memref<125x128xf32, #tpu.memory_space<vmem>>)
      %dma_start3A_80 = arith.constant 4 : i32
      %dma_start3A_81 = arith.constant 0 : i32
      %dma_start3A_82 = tpu.memref_slice %arg8[%dma_start3A_80, %dma_start3A_81] : memref<8x125xi32, #tpu.memory_space<vmem>> -> memref<1x125xi32, #tpu.memory_space<vmem>>
      %dma_start3A_83 = tpu.memref_squeeze %dma_start3A_82 : memref<1x125xi32, #tpu.memory_space<vmem>> -> memref<125xi32, #tpu.memory_space<vmem>>
      %dma_start3A_84 = arith.constant 0 : i32
      %dma_start3A_85 = arith.constant 0 : i32
      %dma_start3A_86 = tpu.memref_slice %arg2[%dma_start3A_84, %dma_start3A_85] : memref<40000x128xf32, #tpu.memory_space<hbm>> -> memref<40000x128xf32, #tpu.memory_space<hbm>>
      tpu.enqueue_indirect_dma source(%dma_start3A_86 : memref<40000x128xf32, #tpu.memory_space<hbm>>) target(%arg10 : memref<125x128xf32, #tpu.memory_space<vmem>>) offsets(%dma_start3A_83 : memref<125xi32, #tpu.memory_space<vmem>>) semaphore(%arg12 : memref<!tpu.dma_semaphore, #tpu.memory_space<semaphore_mem>>)
      %run_scoped3A_87 = arith.constant 3 : i32
      "tpu.region"() ({
        %run_scoped3A_141 = tpu.sem_alloc : memref<!tpu.dma_semaphore, #tpu.memory_space<semaphore_mem>>
        %dma_start3A_142 = arith.constant 0 : i32
        %dma_start3A_143 = tpu.memref_slice %arg9[%run_scoped3A_87, %dma_start3A_142] : memref<8x125xi32, #tpu.memory_space<vmem>> -> memref<1x125xi32, #tpu.memory_space<vmem>>
        %dma_start3A_144 = tpu.memref_squeeze %dma_start3A_143 : memref<1x125xi32, #tpu.memory_space<vmem>> -> memref<125xi32, #tpu.memory_space<vmem>>
        %dma_start3A_145 = arith.constant 0 : i32
        %dma_start3A_146 = arith.constant 0 : i32
        %dma_start3A_147 = tpu.memref_slice %arg7[%dma_start3A_145, %dma_start3A_146] : memref<10240x128xf32, #tpu.memory_space<vmem_shared>> -> memref<10240x128xf32, #tpu.memory_space<vmem_shared>>
        tpu.enqueue_indirect_dma source(%arg11 : memref<125x128xf32, #tpu.memory_space<vmem>>) target(%dma_start3A_147 : memref<10240x128xf32, #tpu.memory_space<vmem_shared>>) offsets(%dma_start3A_144 : memref<125xi32, #tpu.memory_space<vmem>>) semaphore(%run_scoped3A_141 : memref<!tpu.dma_semaphore, #tpu.memory_space<semaphore_mem>>) {add = true}
        %dma_wait3A_148 = arith.constant 0 : i32
        %dma_wait3A_149 = tpu.memref_slice %arg9[%run_scoped3A_87, %dma_wait3A_148] : memref<8x125xi32, #tpu.memory_space<vmem>> -> memref<1x125xi32, #tpu.memory_space<vmem>>
        %dma_wait3A_150 = tpu.memref_squeeze %dma_wait3A_149 : memref<1x125xi32, #tpu.memory_space<vmem>> -> memref<125xi32, #tpu.memory_space<vmem>>
        %dma_wait3A_151 = arith.constant 0 : i32
        %dma_wait3A_152 = arith.constant 0 : i32
        %dma_wait3A_153 = tpu.memref_slice %arg7[%dma_wait3A_151, %dma_wait3A_152] : memref<10240x128xf32, #tpu.memory_space<vmem_shared>> -> memref<10240x128xf32, #tpu.memory_space<vmem_shared>>
        tpu.wait_indirect_dma semaphore(%run_scoped3A_141 : memref<!tpu.dma_semaphore, #tpu.memory_space<semaphore_mem>>) src(%arg11 : memref<125x128xf32, #tpu.memory_space<vmem>>) dst(%dma_wait3A_153 : memref<10240x128xf32, #tpu.memory_space<vmem_shared>>)
        tpu.yield
      }) : () -> ()
      %dma_wait3A_88 = arith.constant 4 : i32
      %dma_wait3A_89 = arith.constant 0 : i32
      %dma_wait3A_90 = tpu.memref_slice %arg8[%dma_wait3A_88, %dma_wait3A_89] : memref<8x125xi32, #tpu.memory_space<vmem>> -> memref<1x125xi32, #tpu.memory_space<vmem>>
      %dma_wait3A_91 = tpu.memref_squeeze %dma_wait3A_90 : memref<1x125xi32, #tpu.memory_space<vmem>> -> memref<125xi32, #tpu.memory_space<vmem>>
      %dma_wait3A_92 = arith.constant 0 : i32
      %dma_wait3A_93 = arith.constant 0 : i32
      %dma_wait3A_94 = tpu.memref_slice %arg2[%dma_wait3A_92, %dma_wait3A_93] : memref<40000x128xf32, #tpu.memory_space<hbm>> -> memref<40000x128xf32, #tpu.memory_space<hbm>>
      tpu.wait_indirect_dma semaphore(%arg12 : memref<!tpu.dma_semaphore, #tpu.memory_space<semaphore_mem>>) src(%dma_wait3A_94 : memref<40000x128xf32, #tpu.memory_space<hbm>>) dst(%arg10 : memref<125x128xf32, #tpu.memory_space<vmem>>)
      %dma_start3A_95 = arith.constant 5 : i32
      %dma_start3A_96 = arith.constant 0 : i32
      %dma_start3A_97 = tpu.memref_slice %arg8[%dma_start3A_95, %dma_start3A_96] : memref<8x125xi32, #tpu.memory_space<vmem>> -> memref<1x125xi32, #tpu.memory_space<vmem>>
      %dma_start3A_98 = tpu.memref_squeeze %dma_start3A_97 : memref<1x125xi32, #tpu.memory_space<vmem>> -> memref<125xi32, #tpu.memory_space<vmem>>
      %dma_start3A_99 = arith.constant 0 : i32
      %dma_start3A_100 = arith.constant 0 : i32
      %dma_start3A_101 = tpu.memref_slice %arg2[%dma_start3A_99, %dma_start3A_100] : memref<40000x128xf32, #tpu.memory_space<hbm>> -> memref<40000x128xf32, #tpu.memory_space<hbm>>
      tpu.enqueue_indirect_dma source(%dma_start3A_101 : memref<40000x128xf32, #tpu.memory_space<hbm>>) target(%arg11 : memref<125x128xf32, #tpu.memory_space<vmem>>) offsets(%dma_start3A_98 : memref<125xi32, #tpu.memory_space<vmem>>) semaphore(%arg13 : memref<!tpu.dma_semaphore, #tpu.memory_space<semaphore_mem>>)
      %run_scoped3A_102 = arith.constant 4 : i32
      "tpu.region"() ({
        %run_scoped3A_141 = tpu.sem_alloc : memref<!tpu.dma_semaphore, #tpu.memory_space<semaphore_mem>>
        %dma_start3A_142 = arith.constant 0 : i32
        %dma_start3A_143 = tpu.memref_slice %arg9[%run_scoped3A_102, %dma_start3A_142] : memref<8x125xi32, #tpu.memory_space<vmem>> -> memref<1x125xi32, #tpu.memory_space<vmem>>
        %dma_start3A_144 = tpu.memref_squeeze %dma_start3A_143 : memref<1x125xi32, #tpu.memory_space<vmem>> -> memref<125xi32, #tpu.memory_space<vmem>>
        %dma_start3A_145 = arith.constant 0 : i32
        %dma_start3A_146 = arith.constant 0 : i32
        %dma_start3A_147 = tpu.memref_slice %arg7[%dma_start3A_145, %dma_start3A_146] : memref<10240x128xf32, #tpu.memory_space<vmem_shared>> -> memref<10240x128xf32, #tpu.memory_space<vmem_shared>>
        tpu.enqueue_indirect_dma source(%arg10 : memref<125x128xf32, #tpu.memory_space<vmem>>) target(%dma_start3A_147 : memref<10240x128xf32, #tpu.memory_space<vmem_shared>>) offsets(%dma_start3A_144 : memref<125xi32, #tpu.memory_space<vmem>>) semaphore(%run_scoped3A_141 : memref<!tpu.dma_semaphore, #tpu.memory_space<semaphore_mem>>) {add = true}
        %dma_wait3A_148 = arith.constant 0 : i32
        %dma_wait3A_149 = tpu.memref_slice %arg9[%run_scoped3A_102, %dma_wait3A_148] : memref<8x125xi32, #tpu.memory_space<vmem>> -> memref<1x125xi32, #tpu.memory_space<vmem>>
        %dma_wait3A_150 = tpu.memref_squeeze %dma_wait3A_149 : memref<1x125xi32, #tpu.memory_space<vmem>> -> memref<125xi32, #tpu.memory_space<vmem>>
        %dma_wait3A_151 = arith.constant 0 : i32
        %dma_wait3A_152 = arith.constant 0 : i32
        %dma_wait3A_153 = tpu.memref_slice %arg7[%dma_wait3A_151, %dma_wait3A_152] : memref<10240x128xf32, #tpu.memory_space<vmem_shared>> -> memref<10240x128xf32, #tpu.memory_space<vmem_shared>>
        tpu.wait_indirect_dma semaphore(%run_scoped3A_141 : memref<!tpu.dma_semaphore, #tpu.memory_space<semaphore_mem>>) src(%arg10 : memref<125x128xf32, #tpu.memory_space<vmem>>) dst(%dma_wait3A_153 : memref<10240x128xf32, #tpu.memory_space<vmem_shared>>)
        tpu.yield
      }) : () -> ()
      %dma_wait3A_103 = arith.constant 5 : i32
      %dma_wait3A_104 = arith.constant 0 : i32
      %dma_wait3A_105 = tpu.memref_slice %arg8[%dma_wait3A_103, %dma_wait3A_104] : memref<8x125xi32, #tpu.memory_space<vmem>> -> memref<1x125xi32, #tpu.memory_space<vmem>>
      %dma_wait3A_106 = tpu.memref_squeeze %dma_wait3A_105 : memref<1x125xi32, #tpu.memory_space<vmem>> -> memref<125xi32, #tpu.memory_space<vmem>>
      %dma_wait3A_107 = arith.constant 0 : i32
      %dma_wait3A_108 = arith.constant 0 : i32
      %dma_wait3A_109 = tpu.memref_slice %arg2[%dma_wait3A_107, %dma_wait3A_108] : memref<40000x128xf32, #tpu.memory_space<hbm>> -> memref<40000x128xf32, #tpu.memory_space<hbm>>
      tpu.wait_indirect_dma semaphore(%arg13 : memref<!tpu.dma_semaphore, #tpu.memory_space<semaphore_mem>>) src(%dma_wait3A_109 : memref<40000x128xf32, #tpu.memory_space<hbm>>) dst(%arg11 : memref<125x128xf32, #tpu.memory_space<vmem>>)
      %dma_start3A_110 = arith.constant 6 : i32
      %dma_start3A_111 = arith.constant 0 : i32
      %dma_start3A_112 = tpu.memref_slice %arg8[%dma_start3A_110, %dma_start3A_111] : memref<8x125xi32, #tpu.memory_space<vmem>> -> memref<1x125xi32, #tpu.memory_space<vmem>>
      %dma_start3A_113 = tpu.memref_squeeze %dma_start3A_112 : memref<1x125xi32, #tpu.memory_space<vmem>> -> memref<125xi32, #tpu.memory_space<vmem>>
      %dma_start3A_114 = arith.constant 0 : i32
      %dma_start3A_115 = arith.constant 0 : i32
      %dma_start3A_116 = tpu.memref_slice %arg2[%dma_start3A_114, %dma_start3A_115] : memref<40000x128xf32, #tpu.memory_space<hbm>> -> memref<40000x128xf32, #tpu.memory_space<hbm>>
      tpu.enqueue_indirect_dma source(%dma_start3A_116 : memref<40000x128xf32, #tpu.memory_space<hbm>>) target(%arg10 : memref<125x128xf32, #tpu.memory_space<vmem>>) offsets(%dma_start3A_113 : memref<125xi32, #tpu.memory_space<vmem>>) semaphore(%arg12 : memref<!tpu.dma_semaphore, #tpu.memory_space<semaphore_mem>>)
      %run_scoped3A_117 = arith.constant 5 : i32
      "tpu.region"() ({
        %run_scoped3A_141 = tpu.sem_alloc : memref<!tpu.dma_semaphore, #tpu.memory_space<semaphore_mem>>
        %dma_start3A_142 = arith.constant 0 : i32
        %dma_start3A_143 = tpu.memref_slice %arg9[%run_scoped3A_117, %dma_start3A_142] : memref<8x125xi32, #tpu.memory_space<vmem>> -> memref<1x125xi32, #tpu.memory_space<vmem>>
        %dma_start3A_144 = tpu.memref_squeeze %dma_start3A_143 : memref<1x125xi32, #tpu.memory_space<vmem>> -> memref<125xi32, #tpu.memory_space<vmem>>
        %dma_start3A_145 = arith.constant 0 : i32
        %dma_start3A_146 = arith.constant 0 : i32
        %dma_start3A_147 = tpu.memref_slice %arg7[%dma_start3A_145, %dma_start3A_146] : memref<10240x128xf32, #tpu.memory_space<vmem_shared>> -> memref<10240x128xf32, #tpu.memory_space<vmem_shared>>
        tpu.enqueue_indirect_dma source(%arg11 : memref<125x128xf32, #tpu.memory_space<vmem>>) target(%dma_start3A_147 : memref<10240x128xf32, #tpu.memory_space<vmem_shared>>) offsets(%dma_start3A_144 : memref<125xi32, #tpu.memory_space<vmem>>) semaphore(%run_scoped3A_141 : memref<!tpu.dma_semaphore, #tpu.memory_space<semaphore_mem>>) {add = true}
        %dma_wait3A_148 = arith.constant 0 : i32
        %dma_wait3A_149 = tpu.memref_slice %arg9[%run_scoped3A_117, %dma_wait3A_148] : memref<8x125xi32, #tpu.memory_space<vmem>> -> memref<1x125xi32, #tpu.memory_space<vmem>>
        %dma_wait3A_150 = tpu.memref_squeeze %dma_wait3A_149 : memref<1x125xi32, #tpu.memory_space<vmem>> -> memref<125xi32, #tpu.memory_space<vmem>>
        %dma_wait3A_151 = arith.constant 0 : i32
        %dma_wait3A_152 = arith.constant 0 : i32
        %dma_wait3A_153 = tpu.memref_slice %arg7[%dma_wait3A_151, %dma_wait3A_152] : memref<10240x128xf32, #tpu.memory_space<vmem_shared>> -> memref<10240x128xf32, #tpu.memory_space<vmem_shared>>
        tpu.wait_indirect_dma semaphore(%run_scoped3A_141 : memref<!tpu.dma_semaphore, #tpu.memory_space<semaphore_mem>>) src(%arg11 : memref<125x128xf32, #tpu.memory_space<vmem>>) dst(%dma_wait3A_153 : memref<10240x128xf32, #tpu.memory_space<vmem_shared>>)
        tpu.yield
      }) : () -> ()
      %dma_wait3A_118 = arith.constant 6 : i32
      %dma_wait3A_119 = arith.constant 0 : i32
      %dma_wait3A_120 = tpu.memref_slice %arg8[%dma_wait3A_118, %dma_wait3A_119] : memref<8x125xi32, #tpu.memory_space<vmem>> -> memref<1x125xi32, #tpu.memory_space<vmem>>
      %dma_wait3A_121 = tpu.memref_squeeze %dma_wait3A_120 : memref<1x125xi32, #tpu.memory_space<vmem>> -> memref<125xi32, #tpu.memory_space<vmem>>
      %dma_wait3A_122 = arith.constant 0 : i32
      %dma_wait3A_123 = arith.constant 0 : i32
      %dma_wait3A_124 = tpu.memref_slice %arg2[%dma_wait3A_122, %dma_wait3A_123] : memref<40000x128xf32, #tpu.memory_space<hbm>> -> memref<40000x128xf32, #tpu.memory_space<hbm>>
      tpu.wait_indirect_dma semaphore(%arg12 : memref<!tpu.dma_semaphore, #tpu.memory_space<semaphore_mem>>) src(%dma_wait3A_124 : memref<40000x128xf32, #tpu.memory_space<hbm>>) dst(%arg10 : memref<125x128xf32, #tpu.memory_space<vmem>>)
      %dma_start3A_125 = arith.constant 7 : i32
      %dma_start3A_126 = arith.constant 0 : i32
      %dma_start3A_127 = tpu.memref_slice %arg8[%dma_start3A_125, %dma_start3A_126] : memref<8x125xi32, #tpu.memory_space<vmem>> -> memref<1x125xi32, #tpu.memory_space<vmem>>
      %dma_start3A_128 = tpu.memref_squeeze %dma_start3A_127 : memref<1x125xi32, #tpu.memory_space<vmem>> -> memref<125xi32, #tpu.memory_space<vmem>>
      %dma_start3A_129 = arith.constant 0 : i32
      %dma_start3A_130 = arith.constant 0 : i32
      %dma_start3A_131 = tpu.memref_slice %arg2[%dma_start3A_129, %dma_start3A_130] : memref<40000x128xf32, #tpu.memory_space<hbm>> -> memref<40000x128xf32, #tpu.memory_space<hbm>>
      tpu.enqueue_indirect_dma source(%dma_start3A_131 : memref<40000x128xf32, #tpu.memory_space<hbm>>) target(%arg11 : memref<125x128xf32, #tpu.memory_space<vmem>>) offsets(%dma_start3A_128 : memref<125xi32, #tpu.memory_space<vmem>>) semaphore(%arg13 : memref<!tpu.dma_semaphore, #tpu.memory_space<semaphore_mem>>)
      %run_scoped3A_132 = arith.constant 6 : i32
      "tpu.region"() ({
        %run_scoped3A_141 = tpu.sem_alloc : memref<!tpu.dma_semaphore, #tpu.memory_space<semaphore_mem>>
        %dma_start3A_142 = arith.constant 0 : i32
        %dma_start3A_143 = tpu.memref_slice %arg9[%run_scoped3A_132, %dma_start3A_142] : memref<8x125xi32, #tpu.memory_space<vmem>> -> memref<1x125xi32, #tpu.memory_space<vmem>>
        %dma_start3A_144 = tpu.memref_squeeze %dma_start3A_143 : memref<1x125xi32, #tpu.memory_space<vmem>> -> memref<125xi32, #tpu.memory_space<vmem>>
        %dma_start3A_145 = arith.constant 0 : i32
        %dma_start3A_146 = arith.constant 0 : i32
        %dma_start3A_147 = tpu.memref_slice %arg7[%dma_start3A_145, %dma_start3A_146] : memref<10240x128xf32, #tpu.memory_space<vmem_shared>> -> memref<10240x128xf32, #tpu.memory_space<vmem_shared>>
        tpu.enqueue_indirect_dma source(%arg10 : memref<125x128xf32, #tpu.memory_space<vmem>>) target(%dma_start3A_147 : memref<10240x128xf32, #tpu.memory_space<vmem_shared>>) offsets(%dma_start3A_144 : memref<125xi32, #tpu.memory_space<vmem>>) semaphore(%run_scoped3A_141 : memref<!tpu.dma_semaphore, #tpu.memory_space<semaphore_mem>>) {add = true}
        %dma_wait3A_148 = arith.constant 0 : i32
        %dma_wait3A_149 = tpu.memref_slice %arg9[%run_scoped3A_132, %dma_wait3A_148] : memref<8x125xi32, #tpu.memory_space<vmem>> -> memref<1x125xi32, #tpu.memory_space<vmem>>
        %dma_wait3A_150 = tpu.memref_squeeze %dma_wait3A_149 : memref<1x125xi32, #tpu.memory_space<vmem>> -> memref<125xi32, #tpu.memory_space<vmem>>
        %dma_wait3A_151 = arith.constant 0 : i32
        %dma_wait3A_152 = arith.constant 0 : i32
        %dma_wait3A_153 = tpu.memref_slice %arg7[%dma_wait3A_151, %dma_wait3A_152] : memref<10240x128xf32, #tpu.memory_space<vmem_shared>> -> memref<10240x128xf32, #tpu.memory_space<vmem_shared>>
        tpu.wait_indirect_dma semaphore(%run_scoped3A_141 : memref<!tpu.dma_semaphore, #tpu.memory_space<semaphore_mem>>) src(%arg10 : memref<125x128xf32, #tpu.memory_space<vmem>>) dst(%dma_wait3A_153 : memref<10240x128xf32, #tpu.memory_space<vmem_shared>>)
        tpu.yield
      }) : () -> ()
      %dma_wait3A_133 = arith.constant 7 : i32
      %dma_wait3A_134 = arith.constant 0 : i32
      %dma_wait3A_135 = tpu.memref_slice %arg8[%dma_wait3A_133, %dma_wait3A_134] : memref<8x125xi32, #tpu.memory_space<vmem>> -> memref<1x125xi32, #tpu.memory_space<vmem>>
      %dma_wait3A_136 = tpu.memref_squeeze %dma_wait3A_135 : memref<1x125xi32, #tpu.memory_space<vmem>> -> memref<125xi32, #tpu.memory_space<vmem>>
      %dma_wait3A_137 = arith.constant 0 : i32
      %dma_wait3A_138 = arith.constant 0 : i32
      %dma_wait3A_139 = tpu.memref_slice %arg2[%dma_wait3A_137, %dma_wait3A_138] : memref<40000x128xf32, #tpu.memory_space<hbm>> -> memref<40000x128xf32, #tpu.memory_space<hbm>>
      tpu.wait_indirect_dma semaphore(%arg13 : memref<!tpu.dma_semaphore, #tpu.memory_space<semaphore_mem>>) src(%dma_wait3A_139 : memref<40000x128xf32, #tpu.memory_space<hbm>>) dst(%arg11 : memref<125x128xf32, #tpu.memory_space<vmem>>)
      %run_scoped3A_140 = arith.constant 7 : i32
      "tpu.region"() ({
        %run_scoped3A_141 = tpu.sem_alloc : memref<!tpu.dma_semaphore, #tpu.memory_space<semaphore_mem>>
        %dma_start3A_142 = arith.constant 0 : i32
        %dma_start3A_143 = tpu.memref_slice %arg9[%run_scoped3A_140, %dma_start3A_142] : memref<8x125xi32, #tpu.memory_space<vmem>> -> memref<1x125xi32, #tpu.memory_space<vmem>>
        %dma_start3A_144 = tpu.memref_squeeze %dma_start3A_143 : memref<1x125xi32, #tpu.memory_space<vmem>> -> memref<125xi32, #tpu.memory_space<vmem>>
        %dma_start3A_145 = arith.constant 0 : i32
        %dma_start3A_146 = arith.constant 0 : i32
        %dma_start3A_147 = tpu.memref_slice %arg7[%dma_start3A_145, %dma_start3A_146] : memref<10240x128xf32, #tpu.memory_space<vmem_shared>> -> memref<10240x128xf32, #tpu.memory_space<vmem_shared>>
        tpu.enqueue_indirect_dma source(%arg11 : memref<125x128xf32, #tpu.memory_space<vmem>>) target(%dma_start3A_147 : memref<10240x128xf32, #tpu.memory_space<vmem_shared>>) offsets(%dma_start3A_144 : memref<125xi32, #tpu.memory_space<vmem>>) semaphore(%run_scoped3A_141 : memref<!tpu.dma_semaphore, #tpu.memory_space<semaphore_mem>>) {add = true}
        %dma_wait3A_148 = arith.constant 0 : i32
        %dma_wait3A_149 = tpu.memref_slice %arg9[%run_scoped3A_140, %dma_wait3A_148] : memref<8x125xi32, #tpu.memory_space<vmem>> -> memref<1x125xi32, #tpu.memory_space<vmem>>
        %dma_wait3A_150 = tpu.memref_squeeze %dma_wait3A_149 : memref<1x125xi32, #tpu.memory_space<vmem>> -> memref<125xi32, #tpu.memory_space<vmem>>
        %dma_wait3A_151 = arith.constant 0 : i32
        %dma_wait3A_152 = arith.constant 0 : i32
        %dma_wait3A_153 = tpu.memref_slice %arg7[%dma_wait3A_151, %dma_wait3A_152] : memref<10240x128xf32, #tpu.memory_space<vmem_shared>> -> memref<10240x128xf32, #tpu.memory_space<vmem_shared>>
        tpu.wait_indirect_dma semaphore(%run_scoped3A_141 : memref<!tpu.dma_semaphore, #tpu.memory_space<semaphore_mem>>) src(%arg11 : memref<125x128xf32, #tpu.memory_space<vmem>>) dst(%dma_wait3A_153 : memref<10240x128xf32, #tpu.memory_space<vmem_shared>>)
        tpu.yield
      }) : () -> ()
    }
    %scan3A_5 = arith.constant 20 : i32
    %barrier3A_6 = arith.constant 0 : index
    tpu.barrier barrier_id(%barrier3A_6)
    %run_scoped3A = arith.constant 0 : i32
    "tpu.region"() ({
      %run_scoped3A_18 = tpu.sem_alloc : memref<!tpu.dma_semaphore, #tpu.memory_space<semaphore_mem>>
      %dma_start3A = arith.constant 0 : i32
      %dma_start3A_19 = tpu.memref_slice %arg6[%arg0, %run_scoped3A, %mul3A_0, %dma_start3A] : memref<2x2x10240x128xf32, #tpu.memory_space<hbm>> -> memref<1x1x640x128xf32, #tpu.memory_space<hbm>>
      %dma_start3A_20 = tpu.memref_squeeze %dma_start3A_19 : memref<1x1x640x128xf32, #tpu.memory_space<hbm>> -> memref<640x128xf32, #tpu.memory_space<hbm>>
      %dma_start3A_21 = arith.constant 0 : i32
      %dma_start3A_22 = tpu.memref_slice %arg7[%mul3A_0, %dma_start3A_21] : memref<10240x128xf32, #tpu.memory_space<vmem_shared>> -> memref<640x128xf32, #tpu.memory_space<vmem_shared>>
      tpu.enqueue_dma source(%dma_start3A_22 : memref<640x128xf32, #tpu.memory_space<vmem_shared>>) target(%dma_start3A_20 : memref<640x128xf32, #tpu.memory_space<hbm>>) target_semaphore(%run_scoped3A_18 : memref<!tpu.dma_semaphore, #tpu.memory_space<semaphore_mem>>)
      %dma_wait3A = arith.constant 0 : i32
      %dma_wait3A_23 = tpu.memref_slice %arg6[%arg0, %run_scoped3A, %mul3A_0, %dma_wait3A] : memref<2x2x10240x128xf32, #tpu.memory_space<hbm>> -> memref<1x1x640x128xf32, #tpu.memory_space<hbm>>
      %dma_wait3A_24 = tpu.memref_squeeze %dma_wait3A_23 : memref<1x1x640x128xf32, #tpu.memory_space<hbm>> -> memref<640x128xf32, #tpu.memory_space<hbm>>
      %dma_wait3A_25 = arith.constant 0 : i32
      %dma_wait3A_26 = tpu.memref_slice %arg7[%mul3A_0, %dma_wait3A_25] : memref<10240x128xf32, #tpu.memory_space<vmem_shared>> -> memref<640x128xf32, #tpu.memory_space<vmem_shared>>
      tpu.wait_dma2 semaphore(%run_scoped3A_18 : memref<!tpu.dma_semaphore, #tpu.memory_space<semaphore_mem>>) src(%dma_wait3A_26 : memref<640x128xf32, #tpu.memory_space<vmem_shared>>) dst(%dma_wait3A_24 : memref<640x128xf32, #tpu.memory_space<hbm>>)
      tpu.yield
    }) : () -> ()
    %barrier3A_7 = arith.constant 0 : index
    tpu.barrier barrier_id(%barrier3A_7)
    "tpu.region"() ({
      %run_scoped3A_18 = tpu.sem_alloc : memref<!tpu.dma_semaphore, #tpu.memory_space<semaphore_mem>>
      %dma_start3A = arith.constant 0 : i32
      %dma_start3A_19 = tpu.memref_slice %arg7[%mul3A_0, %dma_start3A] : memref<10240x128xf32, #tpu.memory_space<vmem_shared>> -> memref<640x128xf32, #tpu.memory_space<vmem_shared>>
      tpu.enqueue_dma source(%arg5 : memref<640x128xf32, #tpu.memory_space<hbm>>) target(%dma_start3A_19 : memref<640x128xf32, #tpu.memory_space<vmem_shared>>) target_semaphore(%run_scoped3A_18 : memref<!tpu.dma_semaphore, #tpu.memory_space<semaphore_mem>>)
      %dma_wait3A = arith.constant 0 : i32
      %dma_wait3A_20 = tpu.memref_slice %arg7[%mul3A_0, %dma_wait3A] : memref<10240x128xf32, #tpu.memory_space<vmem_shared>> -> memref<640x128xf32, #tpu.memory_space<vmem_shared>>
      tpu.wait_dma2 semaphore(%run_scoped3A_18 : memref<!tpu.dma_semaphore, #tpu.memory_space<semaphore_mem>>) src(%arg5 : memref<640x128xf32, #tpu.memory_space<hbm>>) dst(%dma_wait3A_20 : memref<640x128xf32, #tpu.memory_space<vmem_shared>>)
      tpu.yield
    }) : () -> ()
    %barrier3A_8 = arith.constant 0 : index
    tpu.barrier barrier_id(%barrier3A_8)
    %scan3A_9 = arith.constant 0 : i32
    %scan3A_10 = arith.constant 0 : i32
    %scan3A_11 = arith.constant 20 : i32
    %scan3A_12 = arith.addi %scan3A_10, %scan3A_11 : i32
    %scan3A_13 = arith.constant 1 : i32
    scf.for %scan3A_18 = %scan3A_10 to %scan3A_12 step %scan3A_13  : i32 {
      %mul3A_19 = arith.constant 20 : i32
      %mul3A_20 = arith.muli %arg1, %mul3A_19 : i32
      %add3A = arith.addi %mul3A_20, %scan3A_18 : i32
      %run_scoped3A_21 = arith.constant 1 : i32
      "tpu.region"() ({
        %run_scoped3A_141 = tpu.sem_alloc : memref<!tpu.dma_semaphore, #tpu.memory_space<semaphore_mem>>
        %dma_start3A_142 = arith.constant 0 : i32
        %dma_start3A_143 = arith.constant 0 : i32
        %dma_start3A_144 = tpu.memref_slice %arg3[%arg0, %run_scoped3A_21, %add3A, %dma_start3A_142, %dma_start3A_143] : memref<2x2x320x8x125xi32, #tpu.memory_space<hbm>> -> memref<1x1x1x8x125xi32, #tpu.memory_space<hbm>>
        %dma_start3A_145 = tpu.memref_squeeze %dma_start3A_144 : memref<1x1x1x8x125xi32, #tpu.memory_space<hbm>> -> memref<8x125xi32, #tpu.memory_space<hbm>>
        %dma_start3A_146 = arith.constant 0 : i32
        %dma_start3A_147 = arith.constant 0 : i32
        %dma_start3A_148 = tpu.memref_slice %arg3[%arg0, %run_scoped3A_21, %add3A, %dma_start3A_146, %dma_start3A_147] : memref<2x2x320x8x125xi32, #tpu.memory_space<hbm>> -> memref<1x1x1x8x125xi32, #tpu.memory_space<hbm>>
        %dma_start3A_149 = tpu.memref_squeeze %dma_start3A_148 : memref<1x1x1x8x125xi32, #tpu.memory_space<hbm>> -> memref<8x125xi32, #tpu.memory_space<hbm>>
        tpu.enqueue_dma source(%dma_start3A_149 : memref<8x125xi32, #tpu.memory_space<hbm>>) target(%arg8 : memref<8x125xi32, #tpu.memory_space<vmem>>) target_semaphore(%run_scoped3A_141 : memref<!tpu.dma_semaphore, #tpu.memory_space<semaphore_mem>>)
        %dma_wait3A_150 = arith.constant 0 : i32
        %dma_wait3A_151 = arith.constant 0 : i32
        %dma_wait3A_152 = tpu.memref_slice %arg3[%arg0, %run_scoped3A_21, %add3A, %dma_wait3A_150, %dma_wait3A_151] : memref<2x2x320x8x125xi32, #tpu.memory_space<hbm>> -> memref<1x1x1x8x125xi32, #tpu.memory_space<hbm>>
        %dma_wait3A_153 = tpu.memref_squeeze %dma_wait3A_152 : memref<1x1x1x8x125xi32, #tpu.memory_space<hbm>> -> memref<8x125xi32, #tpu.memory_space<hbm>>
        %dma_wait3A_154 = arith.constant 0 : i32
        %dma_wait3A_155 = arith.constant 0 : i32
        %dma_wait3A_156 = tpu.memref_slice %arg3[%arg0, %run_scoped3A_21, %add3A, %dma_wait3A_154, %dma_wait3A_155] : memref<2x2x320x8x125xi32, #tpu.memory_space<hbm>> -> memref<1x1x1x8x125xi32, #tpu.memory_space<hbm>>
        %dma_wait3A_157 = tpu.memref_squeeze %dma_wait3A_156 : memref<1x1x1x8x125xi32, #tpu.memory_space<hbm>> -> memref<8x125xi32, #tpu.memory_space<hbm>>
        tpu.wait_dma2 semaphore(%run_scoped3A_141 : memref<!tpu.dma_semaphore, #tpu.memory_space<semaphore_mem>>) src(%dma_wait3A_157 : memref<8x125xi32, #tpu.memory_space<hbm>>) dst(%arg8 : memref<8x125xi32, #tpu.memory_space<vmem>>)
        tpu.yield
      }) : () -> ()
      %run_scoped3A_22 = arith.constant 1 : i32
      "tpu.region"() ({
        %run_scoped3A_141 = tpu.sem_alloc : memref<!tpu.dma_semaphore, #tpu.memory_space<semaphore_mem>>
        %dma_start3A_142 = arith.constant 0 : i32
        %dma_start3A_143 = arith.constant 0 : i32
        %dma_start3A_144 = tpu.memref_slice %arg4[%arg0, %run_scoped3A_22, %add3A, %dma_start3A_142, %dma_start3A_143] : memref<2x2x320x8x125xi32, #tpu.memory_space<hbm>> -> memref<1x1x1x8x125xi32, #tpu.memory_space<hbm>>
        %dma_start3A_145 = tpu.memref_squeeze %dma_start3A_144 : memref<1x1x1x8x125xi32, #tpu.memory_space<hbm>> -> memref<8x125xi32, #tpu.memory_space<hbm>>
        %dma_start3A_146 = arith.constant 0 : i32
        %dma_start3A_147 = arith.constant 0 : i32
        %dma_start3A_148 = tpu.memref_slice %arg4[%arg0, %run_scoped3A_22, %add3A, %dma_start3A_146, %dma_start3A_147] : memref<2x2x320x8x125xi32, #tpu.memory_space<hbm>> -> memref<1x1x1x8x125xi32, #tpu.memory_space<hbm>>
        %dma_start3A_149 = tpu.memref_squeeze %dma_start3A_148 : memref<1x1x1x8x125xi32, #tpu.memory_space<hbm>> -> memref<8x125xi32, #tpu.memory_space<hbm>>
        tpu.enqueue_dma source(%dma_start3A_149 : memref<8x125xi32, #tpu.memory_space<hbm>>) target(%arg9 : memref<8x125xi32, #tpu.memory_space<vmem>>) target_semaphore(%run_scoped3A_141 : memref<!tpu.dma_semaphore, #tpu.memory_space<semaphore_mem>>)
        %dma_wait3A_150 = arith.constant 0 : i32
        %dma_wait3A_151 = arith.constant 0 : i32
        %dma_wait3A_152 = tpu.memref_slice %arg4[%arg0, %run_scoped3A_22, %add3A, %dma_wait3A_150, %dma_wait3A_151] : memref<2x2x320x8x125xi32, #tpu.memory_space<hbm>> -> memref<1x1x1x8x125xi32, #tpu.memory_space<hbm>>
        %dma_wait3A_153 = tpu.memref_squeeze %dma_wait3A_152 : memref<1x1x1x8x125xi32, #tpu.memory_space<hbm>> -> memref<8x125xi32, #tpu.memory_space<hbm>>
        %dma_wait3A_154 = arith.constant 0 : i32
        %dma_wait3A_155 = arith.constant 0 : i32
        %dma_wait3A_156 = tpu.memref_slice %arg4[%arg0, %run_scoped3A_22, %add3A, %dma_wait3A_154, %dma_wait3A_155] : memref<2x2x320x8x125xi32, #tpu.memory_space<hbm>> -> memref<1x1x1x8x125xi32, #tpu.memory_space<hbm>>
        %dma_wait3A_157 = tpu.memref_squeeze %dma_wait3A_156 : memref<1x1x1x8x125xi32, #tpu.memory_space<hbm>> -> memref<8x125xi32, #tpu.memory_space<hbm>>
        tpu.wait_dma2 semaphore(%run_scoped3A_141 : memref<!tpu.dma_semaphore, #tpu.memory_space<semaphore_mem>>) src(%dma_wait3A_157 : memref<8x125xi32, #tpu.memory_space<hbm>>) dst(%arg9 : memref<8x125xi32, #tpu.memory_space<vmem>>)
        tpu.yield
      }) : () -> ()
      %dma_start3A = arith.constant 0 : i32
      %dma_start3A_23 = arith.constant 0 : i32
      %dma_start3A_24 = tpu.memref_slice %arg8[%dma_start3A, %dma_start3A_23] : memref<8x125xi32, #tpu.memory_space<vmem>> -> memref<1x125xi32, #tpu.memory_space<vmem>>
      %dma_start3A_25 = tpu.memref_squeeze %dma_start3A_24 : memref<1x125xi32, #tpu.memory_space<vmem>> -> memref<125xi32, #tpu.memory_space<vmem>>
      %dma_start3A_26 = arith.constant 0 : i32
      %dma_start3A_27 = arith.constant 0 : i32
      %dma_start3A_28 = tpu.memref_slice %arg2[%dma_start3A_26, %dma_start3A_27] : memref<40000x128xf32, #tpu.memory_space<hbm>> -> memref<40000x128xf32, #tpu.memory_space<hbm>>
      tpu.enqueue_indirect_dma source(%dma_start3A_28 : memref<40000x128xf32, #tpu.memory_space<hbm>>) target(%arg10 : memref<125x128xf32, #tpu.memory_space<vmem>>) offsets(%dma_start3A_25 : memref<125xi32, #tpu.memory_space<vmem>>) semaphore(%arg12 : memref<!tpu.dma_semaphore, #tpu.memory_space<semaphore_mem>>)
      %dma_wait3A = arith.constant 0 : i32
      %dma_wait3A_29 = arith.constant 0 : i32
      %dma_wait3A_30 = tpu.memref_slice %arg8[%dma_wait3A, %dma_wait3A_29] : memref<8x125xi32, #tpu.memory_space<vmem>> -> memref<1x125xi32, #tpu.memory_space<vmem>>
      %dma_wait3A_31 = tpu.memref_squeeze %dma_wait3A_30 : memref<1x125xi32, #tpu.memory_space<vmem>> -> memref<125xi32, #tpu.memory_space<vmem>>
      %dma_wait3A_32 = arith.constant 0 : i32
      %dma_wait3A_33 = arith.constant 0 : i32
      %dma_wait3A_34 = tpu.memref_slice %arg2[%dma_wait3A_32, %dma_wait3A_33] : memref<40000x128xf32, #tpu.memory_space<hbm>> -> memref<40000x128xf32, #tpu.memory_space<hbm>>
      tpu.wait_indirect_dma semaphore(%arg12 : memref<!tpu.dma_semaphore, #tpu.memory_space<semaphore_mem>>) src(%dma_wait3A_34 : memref<40000x128xf32, #tpu.memory_space<hbm>>) dst(%arg10 : memref<125x128xf32, #tpu.memory_space<vmem>>)
      %dma_start3A_35 = arith.constant 1 : i32
      %dma_start3A_36 = arith.constant 0 : i32
      %dma_start3A_37 = tpu.memref_slice %arg8[%dma_start3A_35, %dma_start3A_36] : memref<8x125xi32, #tpu.memory_space<vmem>> -> memref<1x125xi32, #tpu.memory_space<vmem>>
      %dma_start3A_38 = tpu.memref_squeeze %dma_start3A_37 : memref<1x125xi32, #tpu.memory_space<vmem>> -> memref<125xi32, #tpu.memory_space<vmem>>
      %dma_start3A_39 = arith.constant 0 : i32
      %dma_start3A_40 = arith.constant 0 : i32
      %dma_start3A_41 = tpu.memref_slice %arg2[%dma_start3A_39, %dma_start3A_40] : memref<40000x128xf32, #tpu.memory_space<hbm>> -> memref<40000x128xf32, #tpu.memory_space<hbm>>
      tpu.enqueue_indirect_dma source(%dma_start3A_41 : memref<40000x128xf32, #tpu.memory_space<hbm>>) target(%arg11 : memref<125x128xf32, #tpu.memory_space<vmem>>) offsets(%dma_start3A_38 : memref<125xi32, #tpu.memory_space<vmem>>) semaphore(%arg13 : memref<!tpu.dma_semaphore, #tpu.memory_space<semaphore_mem>>)
      %run_scoped3A_42 = arith.constant 0 : i32
      "tpu.region"() ({
        %run_scoped3A_141 = tpu.sem_alloc : memref<!tpu.dma_semaphore, #tpu.memory_space<semaphore_mem>>
        %dma_start3A_142 = arith.constant 0 : i32
        %dma_start3A_143 = tpu.memref_slice %arg9[%run_scoped3A_42, %dma_start3A_142] : memref<8x125xi32, #tpu.memory_space<vmem>> -> memref<1x125xi32, #tpu.memory_space<vmem>>
        %dma_start3A_144 = tpu.memref_squeeze %dma_start3A_143 : memref<1x125xi32, #tpu.memory_space<vmem>> -> memref<125xi32, #tpu.memory_space<vmem>>
        %dma_start3A_145 = arith.constant 0 : i32
        %dma_start3A_146 = arith.constant 0 : i32
        %dma_start3A_147 = tpu.memref_slice %arg7[%dma_start3A_145, %dma_start3A_146] : memref<10240x128xf32, #tpu.memory_space<vmem_shared>> -> memref<10240x128xf32, #tpu.memory_space<vmem_shared>>
        tpu.enqueue_indirect_dma source(%arg10 : memref<125x128xf32, #tpu.memory_space<vmem>>) target(%dma_start3A_147 : memref<10240x128xf32, #tpu.memory_space<vmem_shared>>) offsets(%dma_start3A_144 : memref<125xi32, #tpu.memory_space<vmem>>) semaphore(%run_scoped3A_141 : memref<!tpu.dma_semaphore, #tpu.memory_space<semaphore_mem>>) {add = true}
        %dma_wait3A_148 = arith.constant 0 : i32
        %dma_wait3A_149 = tpu.memref_slice %arg9[%run_scoped3A_42, %dma_wait3A_148] : memref<8x125xi32, #tpu.memory_space<vmem>> -> memref<1x125xi32, #tpu.memory_space<vmem>>
        %dma_wait3A_150 = tpu.memref_squeeze %dma_wait3A_149 : memref<1x125xi32, #tpu.memory_space<vmem>> -> memref<125xi32, #tpu.memory_space<vmem>>
        %dma_wait3A_151 = arith.constant 0 : i32
        %dma_wait3A_152 = arith.constant 0 : i32
        %dma_wait3A_153 = tpu.memref_slice %arg7[%dma_wait3A_151, %dma_wait3A_152] : memref<10240x128xf32, #tpu.memory_space<vmem_shared>> -> memref<10240x128xf32, #tpu.memory_space<vmem_shared>>
        tpu.wait_indirect_dma semaphore(%run_scoped3A_141 : memref<!tpu.dma_semaphore, #tpu.memory_space<semaphore_mem>>) src(%arg10 : memref<125x128xf32, #tpu.memory_space<vmem>>) dst(%dma_wait3A_153 : memref<10240x128xf32, #tpu.memory_space<vmem_shared>>)
        tpu.yield
      }) : () -> ()
      %dma_wait3A_43 = arith.constant 1 : i32
      %dma_wait3A_44 = arith.constant 0 : i32
      %dma_wait3A_45 = tpu.memref_slice %arg8[%dma_wait3A_43, %dma_wait3A_44] : memref<8x125xi32, #tpu.memory_space<vmem>> -> memref<1x125xi32, #tpu.memory_space<vmem>>
      %dma_wait3A_46 = tpu.memref_squeeze %dma_wait3A_45 : memref<1x125xi32, #tpu.memory_space<vmem>> -> memref<125xi32, #tpu.memory_space<vmem>>
      %dma_wait3A_47 = arith.constant 0 : i32
      %dma_wait3A_48 = arith.constant 0 : i32
      %dma_wait3A_49 = tpu.memref_slice %arg2[%dma_wait3A_47, %dma_wait3A_48] : memref<40000x128xf32, #tpu.memory_space<hbm>> -> memref<40000x128xf32, #tpu.memory_space<hbm>>
      tpu.wait_indirect_dma semaphore(%arg13 : memref<!tpu.dma_semaphore, #tpu.memory_space<semaphore_mem>>) src(%dma_wait3A_49 : memref<40000x128xf32, #tpu.memory_space<hbm>>) dst(%arg11 : memref<125x128xf32, #tpu.memory_space<vmem>>)
      %dma_start3A_50 = arith.constant 2 : i32
      %dma_start3A_51 = arith.constant 0 : i32
      %dma_start3A_52 = tpu.memref_slice %arg8[%dma_start3A_50, %dma_start3A_51] : memref<8x125xi32, #tpu.memory_space<vmem>> -> memref<1x125xi32, #tpu.memory_space<vmem>>
      %dma_start3A_53 = tpu.memref_squeeze %dma_start3A_52 : memref<1x125xi32, #tpu.memory_space<vmem>> -> memref<125xi32, #tpu.memory_space<vmem>>
      %dma_start3A_54 = arith.constant 0 : i32
      %dma_start3A_55 = arith.constant 0 : i32
      %dma_start3A_56 = tpu.memref_slice %arg2[%dma_start3A_54, %dma_start3A_55] : memref<40000x128xf32, #tpu.memory_space<hbm>> -> memref<40000x128xf32, #tpu.memory_space<hbm>>
      tpu.enqueue_indirect_dma source(%dma_start3A_56 : memref<40000x128xf32, #tpu.memory_space<hbm>>) target(%arg10 : memref<125x128xf32, #tpu.memory_space<vmem>>) offsets(%dma_start3A_53 : memref<125xi32, #tpu.memory_space<vmem>>) semaphore(%arg12 : memref<!tpu.dma_semaphore, #tpu.memory_space<semaphore_mem>>)
      %run_scoped3A_57 = arith.constant 1 : i32
      "tpu.region"() ({
        %run_scoped3A_141 = tpu.sem_alloc : memref<!tpu.dma_semaphore, #tpu.memory_space<semaphore_mem>>
        %dma_start3A_142 = arith.constant 0 : i32
        %dma_start3A_143 = tpu.memref_slice %arg9[%run_scoped3A_57, %dma_start3A_142] : memref<8x125xi32, #tpu.memory_space<vmem>> -> memref<1x125xi32, #tpu.memory_space<vmem>>
        %dma_start3A_144 = tpu.memref_squeeze %dma_start3A_143 : memref<1x125xi32, #tpu.memory_space<vmem>> -> memref<125xi32, #tpu.memory_space<vmem>>
        %dma_start3A_145 = arith.constant 0 : i32
        %dma_start3A_146 = arith.constant 0 : i32
        %dma_start3A_147 = tpu.memref_slice %arg7[%dma_start3A_145, %dma_start3A_146] : memref<10240x128xf32, #tpu.memory_space<vmem_shared>> -> memref<10240x128xf32, #tpu.memory_space<vmem_shared>>
        tpu.enqueue_indirect_dma source(%arg11 : memref<125x128xf32, #tpu.memory_space<vmem>>) target(%dma_start3A_147 : memref<10240x128xf32, #tpu.memory_space<vmem_shared>>) offsets(%dma_start3A_144 : memref<125xi32, #tpu.memory_space<vmem>>) semaphore(%run_scoped3A_141 : memref<!tpu.dma_semaphore, #tpu.memory_space<semaphore_mem>>) {add = true}
        %dma_wait3A_148 = arith.constant 0 : i32
        %dma_wait3A_149 = tpu.memref_slice %arg9[%run_scoped3A_57, %dma_wait3A_148] : memref<8x125xi32, #tpu.memory_space<vmem>> -> memref<1x125xi32, #tpu.memory_space<vmem>>
        %dma_wait3A_150 = tpu.memref_squeeze %dma_wait3A_149 : memref<1x125xi32, #tpu.memory_space<vmem>> -> memref<125xi32, #tpu.memory_space<vmem>>
        %dma_wait3A_151 = arith.constant 0 : i32
        %dma_wait3A_152 = arith.constant 0 : i32
        %dma_wait3A_153 = tpu.memref_slice %arg7[%dma_wait3A_151, %dma_wait3A_152] : memref<10240x128xf32, #tpu.memory_space<vmem_shared>> -> memref<10240x128xf32, #tpu.memory_space<vmem_shared>>
        tpu.wait_indirect_dma semaphore(%run_scoped3A_141 : memref<!tpu.dma_semaphore, #tpu.memory_space<semaphore_mem>>) src(%arg11 : memref<125x128xf32, #tpu.memory_space<vmem>>) dst(%dma_wait3A_153 : memref<10240x128xf32, #tpu.memory_space<vmem_shared>>)
        tpu.yield
      }) : () -> ()
      %dma_wait3A_58 = arith.constant 2 : i32
      %dma_wait3A_59 = arith.constant 0 : i32
      %dma_wait3A_60 = tpu.memref_slice %arg8[%dma_wait3A_58, %dma_wait3A_59] : memref<8x125xi32, #tpu.memory_space<vmem>> -> memref<1x125xi32, #tpu.memory_space<vmem>>
      %dma_wait3A_61 = tpu.memref_squeeze %dma_wait3A_60 : memref<1x125xi32, #tpu.memory_space<vmem>> -> memref<125xi32, #tpu.memory_space<vmem>>
      %dma_wait3A_62 = arith.constant 0 : i32
      %dma_wait3A_63 = arith.constant 0 : i32
      %dma_wait3A_64 = tpu.memref_slice %arg2[%dma_wait3A_62, %dma_wait3A_63] : memref<40000x128xf32, #tpu.memory_space<hbm>> -> memref<40000x128xf32, #tpu.memory_space<hbm>>
      tpu.wait_indirect_dma semaphore(%arg12 : memref<!tpu.dma_semaphore, #tpu.memory_space<semaphore_mem>>) src(%dma_wait3A_64 : memref<40000x128xf32, #tpu.memory_space<hbm>>) dst(%arg10 : memref<125x128xf32, #tpu.memory_space<vmem>>)
      %dma_start3A_65 = arith.constant 3 : i32
      %dma_start3A_66 = arith.constant 0 : i32
      %dma_start3A_67 = tpu.memref_slice %arg8[%dma_start3A_65, %dma_start3A_66] : memref<8x125xi32, #tpu.memory_space<vmem>> -> memref<1x125xi32, #tpu.memory_space<vmem>>
      %dma_start3A_68 = tpu.memref_squeeze %dma_start3A_67 : memref<1x125xi32, #tpu.memory_space<vmem>> -> memref<125xi32, #tpu.memory_space<vmem>>
      %dma_start3A_69 = arith.constant 0 : i32
      %dma_start3A_70 = arith.constant 0 : i32
      %dma_start3A_71 = tpu.memref_slice %arg2[%dma_start3A_69, %dma_start3A_70] : memref<40000x128xf32, #tpu.memory_space<hbm>> -> memref<40000x128xf32, #tpu.memory_space<hbm>>
      tpu.enqueue_indirect_dma source(%dma_start3A_71 : memref<40000x128xf32, #tpu.memory_space<hbm>>) target(%arg11 : memref<125x128xf32, #tpu.memory_space<vmem>>) offsets(%dma_start3A_68 : memref<125xi32, #tpu.memory_space<vmem>>) semaphore(%arg13 : memref<!tpu.dma_semaphore, #tpu.memory_space<semaphore_mem>>)
      %run_scoped3A_72 = arith.constant 2 : i32
      "tpu.region"() ({
        %run_scoped3A_141 = tpu.sem_alloc : memref<!tpu.dma_semaphore, #tpu.memory_space<semaphore_mem>>
        %dma_start3A_142 = arith.constant 0 : i32
        %dma_start3A_143 = tpu.memref_slice %arg9[%run_scoped3A_72, %dma_start3A_142] : memref<8x125xi32, #tpu.memory_space<vmem>> -> memref<1x125xi32, #tpu.memory_space<vmem>>
        %dma_start3A_144 = tpu.memref_squeeze %dma_start3A_143 : memref<1x125xi32, #tpu.memory_space<vmem>> -> memref<125xi32, #tpu.memory_space<vmem>>
        %dma_start3A_145 = arith.constant 0 : i32
        %dma_start3A_146 = arith.constant 0 : i32
        %dma_start3A_147 = tpu.memref_slice %arg7[%dma_start3A_145, %dma_start3A_146] : memref<10240x128xf32, #tpu.memory_space<vmem_shared>> -> memref<10240x128xf32, #tpu.memory_space<vmem_shared>>
        tpu.enqueue_indirect_dma source(%arg10 : memref<125x128xf32, #tpu.memory_space<vmem>>) target(%dma_start3A_147 : memref<10240x128xf32, #tpu.memory_space<vmem_shared>>) offsets(%dma_start3A_144 : memref<125xi32, #tpu.memory_space<vmem>>) semaphore(%run_scoped3A_141 : memref<!tpu.dma_semaphore, #tpu.memory_space<semaphore_mem>>) {add = true}
        %dma_wait3A_148 = arith.constant 0 : i32
        %dma_wait3A_149 = tpu.memref_slice %arg9[%run_scoped3A_72, %dma_wait3A_148] : memref<8x125xi32, #tpu.memory_space<vmem>> -> memref<1x125xi32, #tpu.memory_space<vmem>>
        %dma_wait3A_150 = tpu.memref_squeeze %dma_wait3A_149 : memref<1x125xi32, #tpu.memory_space<vmem>> -> memref<125xi32, #tpu.memory_space<vmem>>
        %dma_wait3A_151 = arith.constant 0 : i32
        %dma_wait3A_152 = arith.constant 0 : i32
        %dma_wait3A_153 = tpu.memref_slice %arg7[%dma_wait3A_151, %dma_wait3A_152] : memref<10240x128xf32, #tpu.memory_space<vmem_shared>> -> memref<10240x128xf32, #tpu.memory_space<vmem_shared>>
        tpu.wait_indirect_dma semaphore(%run_scoped3A_141 : memref<!tpu.dma_semaphore, #tpu.memory_space<semaphore_mem>>) src(%arg10 : memref<125x128xf32, #tpu.memory_space<vmem>>) dst(%dma_wait3A_153 : memref<10240x128xf32, #tpu.memory_space<vmem_shared>>)
        tpu.yield
      }) : () -> ()
      %dma_wait3A_73 = arith.constant 3 : i32
      %dma_wait3A_74 = arith.constant 0 : i32
      %dma_wait3A_75 = tpu.memref_slice %arg8[%dma_wait3A_73, %dma_wait3A_74] : memref<8x125xi32, #tpu.memory_space<vmem>> -> memref<1x125xi32, #tpu.memory_space<vmem>>
      %dma_wait3A_76 = tpu.memref_squeeze %dma_wait3A_75 : memref<1x125xi32, #tpu.memory_space<vmem>> -> memref<125xi32, #tpu.memory_space<vmem>>
      %dma_wait3A_77 = arith.constant 0 : i32
      %dma_wait3A_78 = arith.constant 0 : i32
      %dma_wait3A_79 = tpu.memref_slice %arg2[%dma_wait3A_77, %dma_wait3A_78] : memref<40000x128xf32, #tpu.memory_space<hbm>> -> memref<40000x128xf32, #tpu.memory_space<hbm>>
      tpu.wait_indirect_dma semaphore(%arg13 : memref<!tpu.dma_semaphore, #tpu.memory_space<semaphore_mem>>) src(%dma_wait3A_79 : memref<40000x128xf32, #tpu.memory_space<hbm>>) dst(%arg11 : memref<125x128xf32, #tpu.memory_space<vmem>>)
      %dma_start3A_80 = arith.constant 4 : i32
      %dma_start3A_81 = arith.constant 0 : i32
      %dma_start3A_82 = tpu.memref_slice %arg8[%dma_start3A_80, %dma_start3A_81] : memref<8x125xi32, #tpu.memory_space<vmem>> -> memref<1x125xi32, #tpu.memory_space<vmem>>
      %dma_start3A_83 = tpu.memref_squeeze %dma_start3A_82 : memref<1x125xi32, #tpu.memory_space<vmem>> -> memref<125xi32, #tpu.memory_space<vmem>>
      %dma_start3A_84 = arith.constant 0 : i32
      %dma_start3A_85 = arith.constant 0 : i32
      %dma_start3A_86 = tpu.memref_slice %arg2[%dma_start3A_84, %dma_start3A_85] : memref<40000x128xf32, #tpu.memory_space<hbm>> -> memref<40000x128xf32, #tpu.memory_space<hbm>>
      tpu.enqueue_indirect_dma source(%dma_start3A_86 : memref<40000x128xf32, #tpu.memory_space<hbm>>) target(%arg10 : memref<125x128xf32, #tpu.memory_space<vmem>>) offsets(%dma_start3A_83 : memref<125xi32, #tpu.memory_space<vmem>>) semaphore(%arg12 : memref<!tpu.dma_semaphore, #tpu.memory_space<semaphore_mem>>)
      %run_scoped3A_87 = arith.constant 3 : i32
      "tpu.region"() ({
        %run_scoped3A_141 = tpu.sem_alloc : memref<!tpu.dma_semaphore, #tpu.memory_space<semaphore_mem>>
        %dma_start3A_142 = arith.constant 0 : i32
        %dma_start3A_143 = tpu.memref_slice %arg9[%run_scoped3A_87, %dma_start3A_142] : memref<8x125xi32, #tpu.memory_space<vmem>> -> memref<1x125xi32, #tpu.memory_space<vmem>>
        %dma_start3A_144 = tpu.memref_squeeze %dma_start3A_143 : memref<1x125xi32, #tpu.memory_space<vmem>> -> memref<125xi32, #tpu.memory_space<vmem>>
        %dma_start3A_145 = arith.constant 0 : i32
        %dma_start3A_146 = arith.constant 0 : i32
        %dma_start3A_147 = tpu.memref_slice %arg7[%dma_start3A_145, %dma_start3A_146] : memref<10240x128xf32, #tpu.memory_space<vmem_shared>> -> memref<10240x128xf32, #tpu.memory_space<vmem_shared>>
        tpu.enqueue_indirect_dma source(%arg11 : memref<125x128xf32, #tpu.memory_space<vmem>>) target(%dma_start3A_147 : memref<10240x128xf32, #tpu.memory_space<vmem_shared>>) offsets(%dma_start3A_144 : memref<125xi32, #tpu.memory_space<vmem>>) semaphore(%run_scoped3A_141 : memref<!tpu.dma_semaphore, #tpu.memory_space<semaphore_mem>>) {add = true}
        %dma_wait3A_148 = arith.constant 0 : i32
        %dma_wait3A_149 = tpu.memref_slice %arg9[%run_scoped3A_87, %dma_wait3A_148] : memref<8x125xi32, #tpu.memory_space<vmem>> -> memref<1x125xi32, #tpu.memory_space<vmem>>
        %dma_wait3A_150 = tpu.memref_squeeze %dma_wait3A_149 : memref<1x125xi32, #tpu.memory_space<vmem>> -> memref<125xi32, #tpu.memory_space<vmem>>
        %dma_wait3A_151 = arith.constant 0 : i32
        %dma_wait3A_152 = arith.constant 0 : i32
        %dma_wait3A_153 = tpu.memref_slice %arg7[%dma_wait3A_151, %dma_wait3A_152] : memref<10240x128xf32, #tpu.memory_space<vmem_shared>> -> memref<10240x128xf32, #tpu.memory_space<vmem_shared>>
        tpu.wait_indirect_dma semaphore(%run_scoped3A_141 : memref<!tpu.dma_semaphore, #tpu.memory_space<semaphore_mem>>) src(%arg11 : memref<125x128xf32, #tpu.memory_space<vmem>>) dst(%dma_wait3A_153 : memref<10240x128xf32, #tpu.memory_space<vmem_shared>>)
        tpu.yield
      }) : () -> ()
      %dma_wait3A_88 = arith.constant 4 : i32
      %dma_wait3A_89 = arith.constant 0 : i32
      %dma_wait3A_90 = tpu.memref_slice %arg8[%dma_wait3A_88, %dma_wait3A_89] : memref<8x125xi32, #tpu.memory_space<vmem>> -> memref<1x125xi32, #tpu.memory_space<vmem>>
      %dma_wait3A_91 = tpu.memref_squeeze %dma_wait3A_90 : memref<1x125xi32, #tpu.memory_space<vmem>> -> memref<125xi32, #tpu.memory_space<vmem>>
      %dma_wait3A_92 = arith.constant 0 : i32
      %dma_wait3A_93 = arith.constant 0 : i32
      %dma_wait3A_94 = tpu.memref_slice %arg2[%dma_wait3A_92, %dma_wait3A_93] : memref<40000x128xf32, #tpu.memory_space<hbm>> -> memref<40000x128xf32, #tpu.memory_space<hbm>>
      tpu.wait_indirect_dma semaphore(%arg12 : memref<!tpu.dma_semaphore, #tpu.memory_space<semaphore_mem>>) src(%dma_wait3A_94 : memref<40000x128xf32, #tpu.memory_space<hbm>>) dst(%arg10 : memref<125x128xf32, #tpu.memory_space<vmem>>)
      %dma_start3A_95 = arith.constant 5 : i32
      %dma_start3A_96 = arith.constant 0 : i32
      %dma_start3A_97 = tpu.memref_slice %arg8[%dma_start3A_95, %dma_start3A_96] : memref<8x125xi32, #tpu.memory_space<vmem>> -> memref<1x125xi32, #tpu.memory_space<vmem>>
      %dma_start3A_98 = tpu.memref_squeeze %dma_start3A_97 : memref<1x125xi32, #tpu.memory_space<vmem>> -> memref<125xi32, #tpu.memory_space<vmem>>
      %dma_start3A_99 = arith.constant 0 : i32
      %dma_start3A_100 = arith.constant 0 : i32
      %dma_start3A_101 = tpu.memref_slice %arg2[%dma_start3A_99, %dma_start3A_100] : memref<40000x128xf32, #tpu.memory_space<hbm>> -> memref<40000x128xf32, #tpu.memory_space<hbm>>
      tpu.enqueue_indirect_dma source(%dma_start3A_101 : memref<40000x128xf32, #tpu.memory_space<hbm>>) target(%arg11 : memref<125x128xf32, #tpu.memory_space<vmem>>) offsets(%dma_start3A_98 : memref<125xi32, #tpu.memory_space<vmem>>) semaphore(%arg13 : memref<!tpu.dma_semaphore, #tpu.memory_space<semaphore_mem>>)
      %run_scoped3A_102 = arith.constant 4 : i32
      "tpu.region"() ({
        %run_scoped3A_141 = tpu.sem_alloc : memref<!tpu.dma_semaphore, #tpu.memory_space<semaphore_mem>>
        %dma_start3A_142 = arith.constant 0 : i32
        %dma_start3A_143 = tpu.memref_slice %arg9[%run_scoped3A_102, %dma_start3A_142] : memref<8x125xi32, #tpu.memory_space<vmem>> -> memref<1x125xi32, #tpu.memory_space<vmem>>
        %dma_start3A_144 = tpu.memref_squeeze %dma_start3A_143 : memref<1x125xi32, #tpu.memory_space<vmem>> -> memref<125xi32, #tpu.memory_space<vmem>>
        %dma_start3A_145 = arith.constant 0 : i32
        %dma_start3A_146 = arith.constant 0 : i32
        %dma_start3A_147 = tpu.memref_slice %arg7[%dma_start3A_145, %dma_start3A_146] : memref<10240x128xf32, #tpu.memory_space<vmem_shared>> -> memref<10240x128xf32, #tpu.memory_space<vmem_shared>>
        tpu.enqueue_indirect_dma source(%arg10 : memref<125x128xf32, #tpu.memory_space<vmem>>) target(%dma_start3A_147 : memref<10240x128xf32, #tpu.memory_space<vmem_shared>>) offsets(%dma_start3A_144 : memref<125xi32, #tpu.memory_space<vmem>>) semaphore(%run_scoped3A_141 : memref<!tpu.dma_semaphore, #tpu.memory_space<semaphore_mem>>) {add = true}
        %dma_wait3A_148 = arith.constant 0 : i32
        %dma_wait3A_149 = tpu.memref_slice %arg9[%run_scoped3A_102, %dma_wait3A_148] : memref<8x125xi32, #tpu.memory_space<vmem>> -> memref<1x125xi32, #tpu.memory_space<vmem>>
        %dma_wait3A_150 = tpu.memref_squeeze %dma_wait3A_149 : memref<1x125xi32, #tpu.memory_space<vmem>> -> memref<125xi32, #tpu.memory_space<vmem>>
        %dma_wait3A_151 = arith.constant 0 : i32
        %dma_wait3A_152 = arith.constant 0 : i32
        %dma_wait3A_153 = tpu.memref_slice %arg7[%dma_wait3A_151, %dma_wait3A_152] : memref<10240x128xf32, #tpu.memory_space<vmem_shared>> -> memref<10240x128xf32, #tpu.memory_space<vmem_shared>>
        tpu.wait_indirect_dma semaphore(%run_scoped3A_141 : memref<!tpu.dma_semaphore, #tpu.memory_space<semaphore_mem>>) src(%arg10 : memref<125x128xf32, #tpu.memory_space<vmem>>) dst(%dma_wait3A_153 : memref<10240x128xf32, #tpu.memory_space<vmem_shared>>)
        tpu.yield
      }) : () -> ()
      %dma_wait3A_103 = arith.constant 5 : i32
      %dma_wait3A_104 = arith.constant 0 : i32
      %dma_wait3A_105 = tpu.memref_slice %arg8[%dma_wait3A_103, %dma_wait3A_104] : memref<8x125xi32, #tpu.memory_space<vmem>> -> memref<1x125xi32, #tpu.memory_space<vmem>>
      %dma_wait3A_106 = tpu.memref_squeeze %dma_wait3A_105 : memref<1x125xi32, #tpu.memory_space<vmem>> -> memref<125xi32, #tpu.memory_space<vmem>>
      %dma_wait3A_107 = arith.constant 0 : i32
      %dma_wait3A_108 = arith.constant 0 : i32
      %dma_wait3A_109 = tpu.memref_slice %arg2[%dma_wait3A_107, %dma_wait3A_108] : memref<40000x128xf32, #tpu.memory_space<hbm>> -> memref<40000x128xf32, #tpu.memory_space<hbm>>
      tpu.wait_indirect_dma semaphore(%arg13 : memref<!tpu.dma_semaphore, #tpu.memory_space<semaphore_mem>>) src(%dma_wait3A_109 : memref<40000x128xf32, #tpu.memory_space<hbm>>) dst(%arg11 : memref<125x128xf32, #tpu.memory_space<vmem>>)
      %dma_start3A_110 = arith.constant 6 : i32
      %dma_start3A_111 = arith.constant 0 : i32
      %dma_start3A_112 = tpu.memref_slice %arg8[%dma_start3A_110, %dma_start3A_111] : memref<8x125xi32, #tpu.memory_space<vmem>> -> memref<1x125xi32, #tpu.memory_space<vmem>>
      %dma_start3A_113 = tpu.memref_squeeze %dma_start3A_112 : memref<1x125xi32, #tpu.memory_space<vmem>> -> memref<125xi32, #tpu.memory_space<vmem>>
      %dma_start3A_114 = arith.constant 0 : i32
      %dma_start3A_115 = arith.constant 0 : i32
      %dma_start3A_116 = tpu.memref_slice %arg2[%dma_start3A_114, %dma_start3A_115] : memref<40000x128xf32, #tpu.memory_space<hbm>> -> memref<40000x128xf32, #tpu.memory_space<hbm>>
      tpu.enqueue_indirect_dma source(%dma_start3A_116 : memref<40000x128xf32, #tpu.memory_space<hbm>>) target(%arg10 : memref<125x128xf32, #tpu.memory_space<vmem>>) offsets(%dma_start3A_113 : memref<125xi32, #tpu.memory_space<vmem>>) semaphore(%arg12 : memref<!tpu.dma_semaphore, #tpu.memory_space<semaphore_mem>>)
      %run_scoped3A_117 = arith.constant 5 : i32
      "tpu.region"() ({
        %run_scoped3A_141 = tpu.sem_alloc : memref<!tpu.dma_semaphore, #tpu.memory_space<semaphore_mem>>
        %dma_start3A_142 = arith.constant 0 : i32
        %dma_start3A_143 = tpu.memref_slice %arg9[%run_scoped3A_117, %dma_start3A_142] : memref<8x125xi32, #tpu.memory_space<vmem>> -> memref<1x125xi32, #tpu.memory_space<vmem>>
        %dma_start3A_144 = tpu.memref_squeeze %dma_start3A_143 : memref<1x125xi32, #tpu.memory_space<vmem>> -> memref<125xi32, #tpu.memory_space<vmem>>
        %dma_start3A_145 = arith.constant 0 : i32
        %dma_start3A_146 = arith.constant 0 : i32
        %dma_start3A_147 = tpu.memref_slice %arg7[%dma_start3A_145, %dma_start3A_146] : memref<10240x128xf32, #tpu.memory_space<vmem_shared>> -> memref<10240x128xf32, #tpu.memory_space<vmem_shared>>
        tpu.enqueue_indirect_dma source(%arg11 : memref<125x128xf32, #tpu.memory_space<vmem>>) target(%dma_start3A_147 : memref<10240x128xf32, #tpu.memory_space<vmem_shared>>) offsets(%dma_start3A_144 : memref<125xi32, #tpu.memory_space<vmem>>) semaphore(%run_scoped3A_141 : memref<!tpu.dma_semaphore, #tpu.memory_space<semaphore_mem>>) {add = true}
        %dma_wait3A_148 = arith.constant 0 : i32
        %dma_wait3A_149 = tpu.memref_slice %arg9[%run_scoped3A_117, %dma_wait3A_148] : memref<8x125xi32, #tpu.memory_space<vmem>> -> memref<1x125xi32, #tpu.memory_space<vmem>>
        %dma_wait3A_150 = tpu.memref_squeeze %dma_wait3A_149 : memref<1x125xi32, #tpu.memory_space<vmem>> -> memref<125xi32, #tpu.memory_space<vmem>>
        %dma_wait3A_151 = arith.constant 0 : i32
        %dma_wait3A_152 = arith.constant 0 : i32
        %dma_wait3A_153 = tpu.memref_slice %arg7[%dma_wait3A_151, %dma_wait3A_152] : memref<10240x128xf32, #tpu.memory_space<vmem_shared>> -> memref<10240x128xf32, #tpu.memory_space<vmem_shared>>
        tpu.wait_indirect_dma semaphore(%run_scoped3A_141 : memref<!tpu.dma_semaphore, #tpu.memory_space<semaphore_mem>>) src(%arg11 : memref<125x128xf32, #tpu.memory_space<vmem>>) dst(%dma_wait3A_153 : memref<10240x128xf32, #tpu.memory_space<vmem_shared>>)
        tpu.yield
      }) : () -> ()
      %dma_wait3A_118 = arith.constant 6 : i32
      %dma_wait3A_119 = arith.constant 0 : i32
      %dma_wait3A_120 = tpu.memref_slice %arg8[%dma_wait3A_118, %dma_wait3A_119] : memref<8x125xi32, #tpu.memory_space<vmem>> -> memref<1x125xi32, #tpu.memory_space<vmem>>
      %dma_wait3A_121 = tpu.memref_squeeze %dma_wait3A_120 : memref<1x125xi32, #tpu.memory_space<vmem>> -> memref<125xi32, #tpu.memory_space<vmem>>
      %dma_wait3A_122 = arith.constant 0 : i32
      %dma_wait3A_123 = arith.constant 0 : i32
      %dma_wait3A_124 = tpu.memref_slice %arg2[%dma_wait3A_122, %dma_wait3A_123] : memref<40000x128xf32, #tpu.memory_space<hbm>> -> memref<40000x128xf32, #tpu.memory_space<hbm>>
      tpu.wait_indirect_dma semaphore(%arg12 : memref<!tpu.dma_semaphore, #tpu.memory_space<semaphore_mem>>) src(%dma_wait3A_124 : memref<40000x128xf32, #tpu.memory_space<hbm>>) dst(%arg10 : memref<125x128xf32, #tpu.memory_space<vmem>>)
      %dma_start3A_125 = arith.constant 7 : i32
      %dma_start3A_126 = arith.constant 0 : i32
      %dma_start3A_127 = tpu.memref_slice %arg8[%dma_start3A_125, %dma_start3A_126] : memref<8x125xi32, #tpu.memory_space<vmem>> -> memref<1x125xi32, #tpu.memory_space<vmem>>
      %dma_start3A_128 = tpu.memref_squeeze %dma_start3A_127 : memref<1x125xi32, #tpu.memory_space<vmem>> -> memref<125xi32, #tpu.memory_space<vmem>>
      %dma_start3A_129 = arith.constant 0 : i32
      %dma_start3A_130 = arith.constant 0 : i32
      %dma_start3A_131 = tpu.memref_slice %arg2[%dma_start3A_129, %dma_start3A_130] : memref<40000x128xf32, #tpu.memory_space<hbm>> -> memref<40000x128xf32, #tpu.memory_space<hbm>>
      tpu.enqueue_indirect_dma source(%dma_start3A_131 : memref<40000x128xf32, #tpu.memory_space<hbm>>) target(%arg11 : memref<125x128xf32, #tpu.memory_space<vmem>>) offsets(%dma_start3A_128 : memref<125xi32, #tpu.memory_space<vmem>>) semaphore(%arg13 : memref<!tpu.dma_semaphore, #tpu.memory_space<semaphore_mem>>)
      %run_scoped3A_132 = arith.constant 6 : i32
      "tpu.region"() ({
        %run_scoped3A_141 = tpu.sem_alloc : memref<!tpu.dma_semaphore, #tpu.memory_space<semaphore_mem>>
        %dma_start3A_142 = arith.constant 0 : i32
        %dma_start3A_143 = tpu.memref_slice %arg9[%run_scoped3A_132, %dma_start3A_142] : memref<8x125xi32, #tpu.memory_space<vmem>> -> memref<1x125xi32, #tpu.memory_space<vmem>>
        %dma_start3A_144 = tpu.memref_squeeze %dma_start3A_143 : memref<1x125xi32, #tpu.memory_space<vmem>> -> memref<125xi32, #tpu.memory_space<vmem>>
        %dma_start3A_145 = arith.constant 0 : i32
        %dma_start3A_146 = arith.constant 0 : i32
        %dma_start3A_147 = tpu.memref_slice %arg7[%dma_start3A_145, %dma_start3A_146] : memref<10240x128xf32, #tpu.memory_space<vmem_shared>> -> memref<10240x128xf32, #tpu.memory_space<vmem_shared>>
        tpu.enqueue_indirect_dma source(%arg10 : memref<125x128xf32, #tpu.memory_space<vmem>>) target(%dma_start3A_147 : memref<10240x128xf32, #tpu.memory_space<vmem_shared>>) offsets(%dma_start3A_144 : memref<125xi32, #tpu.memory_space<vmem>>) semaphore(%run_scoped3A_141 : memref<!tpu.dma_semaphore, #tpu.memory_space<semaphore_mem>>) {add = true}
        %dma_wait3A_148 = arith.constant 0 : i32
        %dma_wait3A_149 = tpu.memref_slice %arg9[%run_scoped3A_132, %dma_wait3A_148] : memref<8x125xi32, #tpu.memory_space<vmem>> -> memref<1x125xi32, #tpu.memory_space<vmem>>
        %dma_wait3A_150 = tpu.memref_squeeze %dma_wait3A_149 : memref<1x125xi32, #tpu.memory_space<vmem>> -> memref<125xi32, #tpu.memory_space<vmem>>
        %dma_wait3A_151 = arith.constant 0 : i32
        %dma_wait3A_152 = arith.constant 0 : i32
        %dma_wait3A_153 = tpu.memref_slice %arg7[%dma_wait3A_151, %dma_wait3A_152] : memref<10240x128xf32, #tpu.memory_space<vmem_shared>> -> memref<10240x128xf32, #tpu.memory_space<vmem_shared>>
        tpu.wait_indirect_dma semaphore(%run_scoped3A_141 : memref<!tpu.dma_semaphore, #tpu.memory_space<semaphore_mem>>) src(%arg10 : memref<125x128xf32, #tpu.memory_space<vmem>>) dst(%dma_wait3A_153 : memref<10240x128xf32, #tpu.memory_space<vmem_shared>>)
        tpu.yield
      }) : () -> ()
      %dma_wait3A_133 = arith.constant 7 : i32
      %dma_wait3A_134 = arith.constant 0 : i32
      %dma_wait3A_135 = tpu.memref_slice %arg8[%dma_wait3A_133, %dma_wait3A_134] : memref<8x125xi32, #tpu.memory_space<vmem>> -> memref<1x125xi32, #tpu.memory_space<vmem>>
      %dma_wait3A_136 = tpu.memref_squeeze %dma_wait3A_135 : memref<1x125xi32, #tpu.memory_space<vmem>> -> memref<125xi32, #tpu.memory_space<vmem>>
      %dma_wait3A_137 = arith.constant 0 : i32
      %dma_wait3A_138 = arith.constant 0 : i32
      %dma_wait3A_139 = tpu.memref_slice %arg2[%dma_wait3A_137, %dma_wait3A_138] : memref<40000x128xf32, #tpu.memory_space<hbm>> -> memref<40000x128xf32, #tpu.memory_space<hbm>>
      tpu.wait_indirect_dma semaphore(%arg13 : memref<!tpu.dma_semaphore, #tpu.memory_space<semaphore_mem>>) src(%dma_wait3A_139 : memref<40000x128xf32, #tpu.memory_space<hbm>>) dst(%arg11 : memref<125x128xf32, #tpu.memory_space<vmem>>)
      %run_scoped3A_140 = arith.constant 7 : i32
      "tpu.region"() ({
        %run_scoped3A_141 = tpu.sem_alloc : memref<!tpu.dma_semaphore, #tpu.memory_space<semaphore_mem>>
        %dma_start3A_142 = arith.constant 0 : i32
        %dma_start3A_143 = tpu.memref_slice %arg9[%run_scoped3A_140, %dma_start3A_142] : memref<8x125xi32, #tpu.memory_space<vmem>> -> memref<1x125xi32, #tpu.memory_space<vmem>>
        %dma_start3A_144 = tpu.memref_squeeze %dma_start3A_143 : memref<1x125xi32, #tpu.memory_space<vmem>> -> memref<125xi32, #tpu.memory_space<vmem>>
        %dma_start3A_145 = arith.constant 0 : i32
        %dma_start3A_146 = arith.constant 0 : i32
        %dma_start3A_147 = tpu.memref_slice %arg7[%dma_start3A_145, %dma_start3A_146] : memref<10240x128xf32, #tpu.memory_space<vmem_shared>> -> memref<10240x128xf32, #tpu.memory_space<vmem_shared>>
        tpu.enqueue_indirect_dma source(%arg11 : memref<125x128xf32, #tpu.memory_space<vmem>>) target(%dma_start3A_147 : memref<10240x128xf32, #tpu.memory_space<vmem_shared>>) offsets(%dma_start3A_144 : memref<125xi32, #tpu.memory_space<vmem>>) semaphore(%run_scoped3A_141 : memref<!tpu.dma_semaphore, #tpu.memory_space<semaphore_mem>>) {add = true}
        %dma_wait3A_148 = arith.constant 0 : i32
        %dma_wait3A_149 = tpu.memref_slice %arg9[%run_scoped3A_140, %dma_wait3A_148] : memref<8x125xi32, #tpu.memory_space<vmem>> -> memref<1x125xi32, #tpu.memory_space<vmem>>
        %dma_wait3A_150 = tpu.memref_squeeze %dma_wait3A_149 : memref<1x125xi32, #tpu.memory_space<vmem>> -> memref<125xi32, #tpu.memory_space<vmem>>
        %dma_wait3A_151 = arith.constant 0 : i32
        %dma_wait3A_152 = arith.constant 0 : i32
        %dma_wait3A_153 = tpu.memref_slice %arg7[%dma_wait3A_151, %dma_wait3A_152] : memref<10240x128xf32, #tpu.memory_space<vmem_shared>> -> memref<10240x128xf32, #tpu.memory_space<vmem_shared>>
        tpu.wait_indirect_dma semaphore(%run_scoped3A_141 : memref<!tpu.dma_semaphore, #tpu.memory_space<semaphore_mem>>) src(%arg11 : memref<125x128xf32, #tpu.memory_space<vmem>>) dst(%dma_wait3A_153 : memref<10240x128xf32, #tpu.memory_space<vmem_shared>>)
        tpu.yield
      }) : () -> ()
    }
    %scan3A_14 = arith.constant 20 : i32
    %barrier3A_15 = arith.constant 0 : index
    tpu.barrier barrier_id(%barrier3A_15)
    %run_scoped3A_16 = arith.constant 1 : i32
    "tpu.region"() ({
      %run_scoped3A_18 = tpu.sem_alloc : memref<!tpu.dma_semaphore, #tpu.memory_space<semaphore_mem>>
      %dma_start3A = arith.constant 0 : i32
      %dma_start3A_19 = tpu.memref_slice %arg6[%arg0, %run_scoped3A_16, %mul3A_0, %dma_start3A] : memref<2x2x10240x128xf32, #tpu.memory_space<hbm>> -> memref<1x1x640x128xf32, #tpu.memory_space<hbm>>
      %dma_start3A_20 = tpu.memref_squeeze %dma_start3A_19 : memref<1x1x640x128xf32, #tpu.memory_space<hbm>> -> memref<640x128xf32, #tpu.memory_space<hbm>>
      %dma_start3A_21 = arith.constant 0 : i32
      %dma_start3A_22 = tpu.memref_slice %arg7[%mul3A_0, %dma_start3A_21] : memref<10240x128xf32, #tpu.memory_space<vmem_shared>> -> memref<640x128xf32, #tpu.memory_space<vmem_shared>>
      tpu.enqueue_dma source(%dma_start3A_22 : memref<640x128xf32, #tpu.memory_space<vmem_shared>>) target(%dma_start3A_20 : memref<640x128xf32, #tpu.memory_space<hbm>>) target_semaphore(%run_scoped3A_18 : memref<!tpu.dma_semaphore, #tpu.memory_space<semaphore_mem>>)
      %dma_wait3A = arith.constant 0 : i32
      %dma_wait3A_23 = tpu.memref_slice %arg6[%arg0, %run_scoped3A_16, %mul3A_0, %dma_wait3A] : memref<2x2x10240x128xf32, #tpu.memory_space<hbm>> -> memref<1x1x640x128xf32, #tpu.memory_space<hbm>>
      %dma_wait3A_24 = tpu.memref_squeeze %dma_wait3A_23 : memref<1x1x640x128xf32, #tpu.memory_space<hbm>> -> memref<640x128xf32, #tpu.memory_space<hbm>>
      %dma_wait3A_25 = arith.constant 0 : i32
      %dma_wait3A_26 = tpu.memref_slice %arg7[%mul3A_0, %dma_wait3A_25] : memref<10240x128xf32, #tpu.memory_space<vmem_shared>> -> memref<640x128xf32, #tpu.memory_space<vmem_shared>>
      tpu.wait_dma2 semaphore(%run_scoped3A_18 : memref<!tpu.dma_semaphore, #tpu.memory_space<semaphore_mem>>) src(%dma_wait3A_26 : memref<640x128xf32, #tpu.memory_space<vmem_shared>>) dst(%dma_wait3A_24 : memref<640x128xf32, #tpu.memory_space<hbm>>)
      tpu.yield
    }) : () -> ()
    %barrier3A_17 = arith.constant 0 : index
    tpu.barrier barrier_id(%barrier3A_17)
    return
  }
}

module attributes {stable_mosaic.version = 14 : i64} {
  func.func @_proj_body(%arg0: i32, %arg1: i32, %arg2: i32, %arg3: memref<1x2000x128xf32, #tpu.memory_space<vmem>>, %arg4: memref<128x128xf32, #tpu.memory_space<vmem>>, %arg5: memref<1x128x64xf32, #tpu.memory_space<vmem>>, %arg6: memref<1x128xf32, #tpu.memory_space<vmem>>, %arg7: memref<2000x128xf32, #tpu.memory_space<vmem>>) attributes {dimension_semantics = [#tpu.dimension_semantics<arbitrary>, #tpu.dimension_semantics<arbitrary>, #tpu.dimension_semantics<arbitrary>], iteration_bounds = array<i64: 2, 2, 5>, scalar_prefetch = 0 : i64, scratch_operands = 0 : i64, tpu.core_type = #tpu.core_type<tc>, window_params = [{transform_indices = @transform_0, window_bounds = array<i64: 1, 2000, 128>}, {pipeline_mode = #tpu.pipeline_mode<synchronous>, transform_indices = @transform_1, window_bounds = array<i64: 128, 128>}, {transform_indices = @transform_2, window_bounds = array<i64: 1, 128, 64>}, {pipeline_mode = #tpu.pipeline_mode<synchronous>, transform_indices = @transform_3, window_bounds = array<i64: 1, 128>}, {transform_indices = @transform_4, window_bounds = array<i64: 2000, 128>}]} {
    %get3A = arith.constant 0 : index
    %get3A_0 = arith.constant 0 : index
    %get3A_1 = arith.constant 0 : index
    %get3A_2 = vector.load %arg3[%get3A, %get3A_0, %get3A_1] : memref<1x2000x128xf32, #tpu.memory_space<vmem>>, vector<1x2000x128xf32>
    %get3A_3 = vector.shape_cast %get3A_2 : vector<1x2000x128xf32> to vector<2000x128xf32>
    %get3A_4 = arith.constant 0 : index
    %get3A_5 = arith.constant 0 : index
    %get3A_6 = arith.constant 0 : index
    %get3A_7 = vector.load %arg5[%get3A_4, %get3A_5, %get3A_6] : memref<1x128x64xf32, #tpu.memory_space<vmem>>, vector<1x128x64xf32>
    %get3A_8 = vector.shape_cast %get3A_7 : vector<1x128x64xf32> to vector<128x64xf32>
    %get3A_9 = arith.constant 0 : index
    %get3A_10 = arith.constant 0 : index
    %get3A_11 = vector.load %arg4[%get3A_9, %get3A_10] : memref<128x128xf32, #tpu.memory_space<vmem>>, vector<128x128xf32>
    %dot_general3A = arith.constant dense<0.000000e+00> : vector<128x64xf32>
    %dot_general3A_12 = tpu.matmul %get3A_11, %get3A_8, %dot_general3A {dimension_numbers = #tpu.dot_dimension_numbers<[1], [0], [0], [1], [0, 0, 1, 1], [], []>, transpose_lhs_hint = false} : vector<128x128xf32>, vector<128x64xf32>, vector<128x64xf32> -> vector<128x64xf32>
    %get3A_13 = arith.constant 0 : index
    %get3A_14 = arith.constant 0 : index
    %get3A_15 = vector.load %arg6[%get3A_13, %get3A_14] : memref<1x128xf32, #tpu.memory_space<vmem>>, vector<1x128xf32>
    %dot_general3A_16 = arith.constant dense<0.000000e+00> : vector<1x64xf32>
    %dot_general3A_17 = tpu.matmul %get3A_15, %get3A_8, %dot_general3A_16 {dimension_numbers = #tpu.dot_dimension_numbers<[1], [0], [0], [1], [0, 0, 1, 1], [], []>, transpose_lhs_hint = false} : vector<1x128xf32>, vector<128x64xf32>, vector<1x64xf32> -> vector<1x64xf32>
    %dot_general3A_18 = arith.constant dense<0.000000e+00> : vector<2000x64xf32>
    %dot_general3A_19 = tpu.matmul %get3A_3, %dot_general3A_12, %dot_general3A_18 {dimension_numbers = #tpu.dot_dimension_numbers<[1], [0], [0], [1], [0, 0, 1, 1], [], []>, transpose_lhs_hint = false} : vector<2000x128xf32>, vector<128x64xf32>, vector<2000x64xf32> -> vector<2000x64xf32>
    %add3A = vector.broadcast %dot_general3A_17 : vector<1x64xf32> to vector<2000x64xf32>
    %add3A_20 = arith.addf %dot_general3A_19, %add3A : vector<2000x64xf32>
    %iota3A = tpu.iota {dimensions = array<i32: 1>} : vector<2000x64xi32>
    %eq3A = arith.constant 0 : i32
    %eq3A_21 = vector.broadcast %eq3A : i32 to vector<2000x64xi32>
    %eq3A_22 = arith.cmpi eq, %iota3A, %eq3A_21 : vector<2000x64xi32>
    %convert_element_type3A = arith.extui %eq3A_22 : vector<2000x64xi1> to vector<2000x64xi32>
    %convert_element_type3A_23 = arith.sitofp %convert_element_type3A : vector<2000x64xi32> to vector<2000x64xf32>
    %concatenate3A = tpu.concatenate %add3A_20, %convert_element_type3A_23 in 1 : vector<2000x64xf32>, vector<2000x64xf32> -> vector<2000x128xf32>
    %swap3A = arith.constant 0 : index
    %swap3A_24 = arith.constant 0 : index
    %swap3A_25 = vector.load %arg7[%swap3A, %swap3A_24] : memref<2000x128xf32, #tpu.memory_space<vmem>>, vector<2000x128xf32>
    tpu.vector_store %arg7[%swap3A, %swap3A_24], %concatenate3A {strides = array<i32>} : memref<2000x128xf32, #tpu.memory_space<vmem>>, vector<2000x128xf32>,
    return
  }
  func.func @transform_0(%arg0: i32, %arg1: i32, %arg2: i32) -> (i32, i32, i32) {
    %c0_i32 = arith.constant 0 : i32
    %c0_i32_0 = arith.constant 0 : i32
    return %arg0, %arg2, %c0_i32 : i32, i32, i32
  }
  func.func @transform_1(%arg0: i32, %arg1: i32, %arg2: i32) -> (i32, i32) {
    %c0_i32 = arith.constant 0 : i32
    %c0_i32_0 = arith.constant 0 : i32
    %c0_i32_1 = arith.constant 0 : i32
    return %c0_i32, %c0_i32_0 : i32, i32
  }
  func.func @transform_2(%arg0: i32, %arg1: i32, %arg2: i32) -> (i32, i32, i32) {
    %c0_i32 = arith.constant 0 : i32
    %c0_i32_0 = arith.constant 0 : i32
    %c0_i32_1 = arith.constant 0 : i32
    return %arg1, %c0_i32, %c0_i32_0 : i32, i32, i32
  }
  func.func @transform_3(%arg0: i32, %arg1: i32, %arg2: i32) -> (i32, i32) {
    %c0_i32 = arith.constant 0 : i32
    %c0_i32_0 = arith.constant 0 : i32
    %c0_i32_1 = arith.constant 0 : i32
    return %c0_i32, %c0_i32_0 : i32, i32
  }
  func.func @transform_4(%arg0: i32, %arg1: i32, %arg2: i32) -> (i32, i32) {
    %mul3A = arith.constant 2 : i32
    %mul3A_0 = arith.muli %arg0, %mul3A : i32
    %add3A = arith.addi %mul3A_0, %arg1 : i32
    %mul3A_1 = arith.constant 5 : i32
    %mul3A_2 = arith.muli %add3A, %mul3A_1 : i32
    %add3A_3 = arith.addi %mul3A_2, %arg2 : i32
    %c0_i32 = arith.constant 0 : i32
    %c0_i32_4 = arith.constant 0 : i32
    return %add3A_3, %c0_i32 : i32, i32
  }
}

module attributes {stable_mosaic.version = 14 : i64} {
  func.func @_fin_body(%arg0: i32, %arg1: memref<1x2x2000x128xf32, #tpu.memory_space<vmem>>, %arg2: memref<2x64xf32, #tpu.memory_space<vmem>>, %arg3: memref<2xf32, #tpu.memory_space<smem>>, %arg4: memref<64x128xf32, #tpu.memory_space<vmem>>, %arg5: memref<1x128xf32, #tpu.memory_space<vmem>>, %arg6: memref<2000x64xf32, #tpu.memory_space<vmem>>, %arg7: memref<2000x128xf32, #tpu.memory_space<vmem>>) attributes {dimension_semantics = [#tpu.dimension_semantics<arbitrary>], iteration_bounds = array<i64: 5>, scalar_prefetch = 0 : i64, scratch_operands = 0 : i64, tpu.core_type = #tpu.core_type<tc>, window_params = [{transform_indices = @transform_0, window_bounds = array<i64: 1, 2, 2000, 128>}, {pipeline_mode = #tpu.pipeline_mode<synchronous>, transform_indices = @transform_1, window_bounds = array<i64: 2, 64>}, {transform_indices = @transform_2, window_bounds = array<i64: 2>}, {pipeline_mode = #tpu.pipeline_mode<synchronous>, transform_indices = @transform_3, window_bounds = array<i64: 64, 128>}, {pipeline_mode = #tpu.pipeline_mode<synchronous>, transform_indices = @transform_4, window_bounds = array<i64: 1, 128>}, {transform_indices = @transform_5, window_bounds = array<i64: 2000, 64>}, {transform_indices = @transform_6, window_bounds = array<i64: 2000, 128>}]} {
    %get3A = arith.constant 0 : index
    %get3A_0 = memref.load %arg3[%get3A] : memref<2xf32, #tpu.memory_space<smem>>
    %get3A_1 = arith.constant 1 : index
    %get3A_2 = memref.load %arg3[%get3A_1] : memref<2xf32, #tpu.memory_space<smem>>
    %max3A = arith.maximumf %get3A_0, %get3A_2 : f32
    %sub3A = arith.subf %get3A_0, %max3A : f32
    %exp3A = math.exp %sub3A : f32
    %sub3A_3 = arith.subf %get3A_2, %max3A : f32
    %exp3A_4 = math.exp %sub3A_3 : f32
    %add3A = arith.addf %exp3A, %exp3A_4 : f32
    %div3A = arith.divf %exp3A, %add3A : f32
    %add3A_5 = arith.addf %exp3A, %exp3A_4 : f32
    %div3A_6 = arith.divf %exp3A_4, %add3A_5 : f32
    %get3A_7 = arith.constant 0 : index
    %get3A_8 = arith.constant 0 : index
    %get3A_9 = arith.constant 0 : index
    %get3A_10 = arith.constant 0 : index
    %get3A_11 = vector.load %arg1[%get3A_7, %get3A_8, %get3A_9, %get3A_10] : memref<1x2x2000x128xf32, #tpu.memory_space<vmem>>, vector<1x2x2000x128xf32>
    %get3A_12 = vector.shape_cast %get3A_11 : vector<1x2x2000x128xf32> to vector<2x2000x128xf32>
    %slice3A = vector.extract_strided_slice %get3A_12 {offsets = [0, 0, 64], sizes = [1, 2000, 1], strides = [1, 1, 1]} : vector<2x2000x128xf32> to vector<1x2000x1xf32>
    %squeeze3A = vector.shape_cast %slice3A : vector<1x2000x1xf32> to vector<2000x1xf32>
    %max3A_13 = arith.constant 1.000000e+00 : f32
    %max3A_14 = vector.broadcast %max3A_13 : f32 to vector<2000x1xf32>
    %max3A_15 = arith.maximumf %squeeze3A, %max3A_14 : vector<2000x1xf32>
    %slice3A_16 = vector.extract_strided_slice %get3A_12 {offsets = [1, 0, 64], sizes = [1, 2000, 1], strides = [1, 1, 1]} : vector<2x2000x128xf32> to vector<1x2000x1xf32>
    %squeeze3A_17 = vector.shape_cast %slice3A_16 : vector<1x2000x1xf32> to vector<2000x1xf32>
    %max3A_18 = arith.constant 1.000000e+00 : f32
    %max3A_19 = vector.broadcast %max3A_18 : f32 to vector<2000x1xf32>
    %max3A_20 = arith.maximumf %squeeze3A_17, %max3A_19 : vector<2000x1xf32>
    %slice3A_21 = vector.extract_strided_slice %get3A_12 {offsets = [0, 0, 0], sizes = [1, 2000, 64], strides = [1, 1, 1]} : vector<2x2000x128xf32> to vector<1x2000x64xf32>
    %squeeze3A_22 = vector.shape_cast %slice3A_21 : vector<1x2000x64xf32> to vector<2000x64xf32>
    %div3A_23 = vector.broadcast %max3A_15 : vector<2000x1xf32> to vector<2000x64xf32>
    %div3A_24 = arith.divf %squeeze3A_22, %div3A_23 : vector<2000x64xf32>
    %get3A_25 = arith.constant 0 : index
    %get3A_26 = arith.constant 0 : index
    %get3A_27 = vector.load %arg2[%get3A_25, %get3A_26] : memref<2x64xf32, #tpu.memory_space<vmem>>, vector<1x64xf32>
    %add3A_28 = vector.broadcast %get3A_27 : vector<1x64xf32> to vector<2000x64xf32>
    %add3A_29 = arith.addf %div3A_24, %add3A_28 : vector<2000x64xf32>
    %max3A_30 = arith.constant 0.000000e+00 : f32
    %max3A_31 = vector.broadcast %max3A_30 : f32 to vector<2000x64xf32>
    %max3A_32 = arith.maximumf %add3A_29, %max3A_31 : vector<2000x64xf32>
    %slice3A_33 = vector.extract_strided_slice %get3A_12 {offsets = [1, 0, 0], sizes = [1, 2000, 64], strides = [1, 1, 1]} : vector<2x2000x128xf32> to vector<1x2000x64xf32>
    %squeeze3A_34 = vector.shape_cast %slice3A_33 : vector<1x2000x64xf32> to vector<2000x64xf32>
    %div3A_35 = vector.broadcast %max3A_20 : vector<2000x1xf32> to vector<2000x64xf32>
    %div3A_36 = arith.divf %squeeze3A_34, %div3A_35 : vector<2000x64xf32>
    %get3A_37 = arith.constant 1 : index
    %get3A_38 = arith.constant 0 : index
    %get3A_39 = vector.load %arg2[%get3A_37, %get3A_38] : memref<2x64xf32, #tpu.memory_space<vmem>>, vector<1x64xf32>
    %add3A_40 = vector.broadcast %get3A_39 : vector<1x64xf32> to vector<2000x64xf32>
    %add3A_41 = arith.addf %div3A_36, %add3A_40 : vector<2000x64xf32>
    %max3A_42 = arith.constant 0.000000e+00 : f32
    %max3A_43 = vector.broadcast %max3A_42 : f32 to vector<2000x64xf32>
    %max3A_44 = arith.maximumf %add3A_41, %max3A_43 : vector<2000x64xf32>
    %mul3A = vector.broadcast %div3A : f32 to vector<2000x64xf32>
    %mul3A_45 = arith.mulf %mul3A, %max3A_32 : vector<2000x64xf32>
    %mul3A_46 = vector.broadcast %div3A_6 : f32 to vector<2000x64xf32>
    %mul3A_47 = arith.mulf %mul3A_46, %max3A_44 : vector<2000x64xf32>
    %add3A_48 = arith.addf %mul3A_45, %mul3A_47 : vector<2000x64xf32>
    %swap3A = arith.constant 0 : index
    %swap3A_49 = arith.constant 0 : index
    %swap3A_50 = vector.load %arg6[%swap3A, %swap3A_49] : memref<2000x64xf32, #tpu.memory_space<vmem>>, vector<2000x64xf32>
    tpu.vector_store %arg6[%swap3A, %swap3A_49], %add3A_48 {strides = array<i32>} : memref<2000x64xf32, #tpu.memory_space<vmem>>, vector<2000x64xf32>,
    %get3A_51 = arith.constant 0 : index
    %get3A_52 = arith.constant 0 : index
    %get3A_53 = vector.load %arg4[%get3A_51, %get3A_52] : memref<64x128xf32, #tpu.memory_space<vmem>>, vector<64x128xf32>
    %dot_general3A = arith.constant dense<0.000000e+00> : vector<2000x128xf32>
    %dot_general3A_54 = tpu.matmul %add3A_48, %get3A_53, %dot_general3A {dimension_numbers = #tpu.dot_dimension_numbers<[1], [0], [0], [1], [0, 0, 1, 1], [], []>, transpose_lhs_hint = false} : vector<2000x64xf32>, vector<64x128xf32>, vector<2000x128xf32> -> vector<2000x128xf32>
    %get3A_55 = arith.constant 0 : index
    %get3A_56 = arith.constant 0 : index
    %get3A_57 = vector.load %arg5[%get3A_55, %get3A_56] : memref<1x128xf32, #tpu.memory_space<vmem>>, vector<1x128xf32>
    %add3A_58 = vector.broadcast %get3A_57 : vector<1x128xf32> to vector<2000x128xf32>
    %add3A_59 = arith.addf %dot_general3A_54, %add3A_58 : vector<2000x128xf32>
    %swap3A_60 = arith.constant 0 : index
    %swap3A_61 = arith.constant 0 : index
    %swap3A_62 = vector.load %arg7[%swap3A_60, %swap3A_61] : memref<2000x128xf32, #tpu.memory_space<vmem>>, vector<2000x128xf32>
    tpu.vector_store %arg7[%swap3A_60, %swap3A_61], %add3A_59 {strides = array<i32>} : memref<2000x128xf32, #tpu.memory_space<vmem>>, vector<2000x128xf32>,
    return
  }
  func.func @transform_0(%arg0: i32) -> (i32, i32, i32, i32) {
    %c0_i32 = arith.constant 0 : i32
    %c0_i32_0 = arith.constant 0 : i32
    %c0_i32_1 = arith.constant 0 : i32
    %c0_i32_2 = arith.constant 0 : i32
    return %c0_i32, %c0_i32_0, %arg0, %c0_i32_1 : i32, i32, i32, i32
  }
  func.func @transform_1(%arg0: i32) -> (i32, i32) {
    %c0_i32 = arith.constant 0 : i32
    %c0_i32_0 = arith.constant 0 : i32
    %c0_i32_1 = arith.constant 0 : i32
    return %c0_i32, %c0_i32_0 : i32, i32
  }
  func.func @transform_2(%arg0: i32) -> i32 {
    %c0_i32 = arith.constant 0 : i32
    %c0_i32_0 = arith.constant 0 : i32
    return %c0_i32 : i32
  }
  func.func @transform_3(%arg0: i32) -> (i32, i32) {
    %c0_i32 = arith.constant 0 : i32
    %c0_i32_0 = arith.constant 0 : i32
    %c0_i32_1 = arith.constant 0 : i32
    return %c0_i32, %c0_i32_0 : i32, i32
  }
  func.func @transform_4(%arg0: i32) -> (i32, i32) {
    %c0_i32 = arith.constant 0 : i32
    %c0_i32_0 = arith.constant 0 : i32
    %c0_i32_1 = arith.constant 0 : i32
    return %c0_i32, %c0_i32_0 : i32, i32
  }
  func.func @transform_5(%arg0: i32) -> (i32, i32) {
    %c0_i32 = arith.constant 0 : i32
    %c0_i32_0 = arith.constant 0 : i32
    return %arg0, %c0_i32 : i32, i32
  }
  func.func @transform_6(%arg0: i32) -> (i32, i32) {
    %c0_i32 = arith.constant 0 : i32
    %c0_i32_0 = arith.constant 0 : i32
    return %arg0, %c0_i32 : i32, i32
  }
}

module attributes {stable_mosaic.version = 14 : i64} {
  func.func @_adj_body(%arg0: i32, %arg1: i32, %arg2: memref<2048x64xf32, #tpu.memory_space<vmem>>, %arg3: memref<2048x64xf32, #tpu.memory_space<vmem>>, %arg4: memref<2048x2048xf32, #tpu.memory_space<vmem>>) attributes {dimension_semantics = [#tpu.dimension_semantics<arbitrary>, #tpu.dimension_semantics<arbitrary>], iteration_bounds = array<i64: 5, 5>, scalar_prefetch = 0 : i64, scratch_operands = 0 : i64, tpu.core_type = #tpu.core_type<tc>, window_params = [{transform_indices = @transform_0, window_bounds = array<i64: 2048, 64>}, {transform_indices = @transform_1, window_bounds = array<i64: 2048, 64>}, {transform_indices = @transform_2, window_bounds = array<i64: 2048, 2048>}]} {
    %get3A = arith.constant 0 : index
    %get3A_0 = arith.constant 0 : index
    %get3A_1 = vector.load %arg2[%get3A, %get3A_0] : memref<2048x64xf32, #tpu.memory_space<vmem>>, vector<2048x64xf32>
    %get3A_2 = arith.constant 0 : index
    %get3A_3 = arith.constant 0 : index
    %get3A_4 = vector.load %arg3[%get3A_2, %get3A_3] : memref<2048x64xf32, #tpu.memory_space<vmem>>, vector<2048x64xf32>
    %dot_general3A = arith.constant dense<0.000000e+00> : vector<2048x2048xf32>
    %dot_general3A_5 = tpu.matmul %get3A_1, %get3A_4, %dot_general3A {dimension_numbers = #tpu.dot_dimension_numbers<[1], [1], [0], [0], [0, 0, 1, 0], [], []>, transpose_lhs_hint = false} : vector<2048x64xf32>, vector<2048x64xf32>, vector<2048x2048xf32> -> vector<2048x2048xf32>
    %mul3A = arith.constant 5.000000e-01 : f32
    %mul3A_6 = vector.broadcast %mul3A : f32 to vector<2048x2048xf32>
    %mul3A_7 = arith.mulf %mul3A_6, %dot_general3A_5 : vector<2048x2048xf32>
    %tanh3A = math.tanh %mul3A_7 : vector<2048x2048xf32>
    %mul3A_8 = arith.constant 5.000000e-01 : f32
    %mul3A_9 = vector.broadcast %mul3A_8 : f32 to vector<2048x2048xf32>
    %mul3A_10 = arith.mulf %mul3A_9, %tanh3A : vector<2048x2048xf32>
    %add3A = arith.constant 5.000000e-01 : f32
    %add3A_11 = vector.broadcast %add3A : f32 to vector<2048x2048xf32>
    %add3A_12 = arith.addf %mul3A_10, %add3A_11 : vector<2048x2048xf32>
    %swap3A = arith.constant 0 : index
    %swap3A_13 = arith.constant 0 : index
    %swap3A_14 = vector.load %arg4[%swap3A, %swap3A_13] : memref<2048x2048xf32, #tpu.memory_space<vmem>>, vector<2048x2048xf32>
    tpu.vector_store %arg4[%swap3A, %swap3A_13], %add3A_12 {strides = array<i32>} : memref<2048x2048xf32, #tpu.memory_space<vmem>>, vector<2048x2048xf32>,
    return
  }
  func.func @transform_0(%arg0: i32, %arg1: i32) -> (i32, i32) {
    %c0_i32 = arith.constant 0 : i32
    %c0_i32_0 = arith.constant 0 : i32
    return %arg0, %c0_i32 : i32, i32
  }
  func.func @transform_1(%arg0: i32, %arg1: i32) -> (i32, i32) {
    %c0_i32 = arith.constant 0 : i32
    %c0_i32_0 = arith.constant 0 : i32
    return %arg1, %c0_i32 : i32, i32
  }
  func.func @transform_2(%arg0: i32, %arg1: i32) -> (i32, i32) {
    %c0_i32 = arith.constant 0 : i32
    return %arg0, %arg1 : i32, i32
  }
}

module attributes {stable_mosaic.version = 14 : i64} {
  func.func @_fin_body(%arg0: i32, %arg1: memref<1x2x2000x128xf32, #tpu.memory_space<vmem>>, %arg2: memref<2x64xf32, #tpu.memory_space<vmem>>, %arg3: memref<2xf32, #tpu.memory_space<smem>>, %arg4: memref<64x128xf32, #tpu.memory_space<vmem>>, %arg5: memref<1x128xf32, #tpu.memory_space<vmem>>, %arg6: memref<2000x64xf32, #tpu.memory_space<vmem>>, %arg7: memref<2000x128xf32, #tpu.memory_space<vmem>>) attributes {dimension_semantics = [#tpu.dimension_semantics<arbitrary>], iteration_bounds = array<i64: 5>, scalar_prefetch = 0 : i64, scratch_operands = 0 : i64, tpu.core_type = #tpu.core_type<tc>, window_params = [{transform_indices = @transform_0, window_bounds = array<i64: 1, 2, 2000, 128>}, {pipeline_mode = #tpu.pipeline_mode<synchronous>, transform_indices = @transform_1, window_bounds = array<i64: 2, 64>}, {transform_indices = @transform_2, window_bounds = array<i64: 2>}, {pipeline_mode = #tpu.pipeline_mode<synchronous>, transform_indices = @transform_3, window_bounds = array<i64: 64, 128>}, {pipeline_mode = #tpu.pipeline_mode<synchronous>, transform_indices = @transform_4, window_bounds = array<i64: 1, 128>}, {transform_indices = @transform_5, window_bounds = array<i64: 2000, 64>}, {transform_indices = @transform_6, window_bounds = array<i64: 2000, 128>}]} {
    %get3A = arith.constant 0 : index
    %get3A_0 = memref.load %arg3[%get3A] : memref<2xf32, #tpu.memory_space<smem>>
    %get3A_1 = arith.constant 1 : index
    %get3A_2 = memref.load %arg3[%get3A_1] : memref<2xf32, #tpu.memory_space<smem>>
    %max3A = arith.maximumf %get3A_0, %get3A_2 : f32
    %sub3A = arith.subf %get3A_0, %max3A : f32
    %exp3A = math.exp %sub3A : f32
    %sub3A_3 = arith.subf %get3A_2, %max3A : f32
    %exp3A_4 = math.exp %sub3A_3 : f32
    %add3A = arith.addf %exp3A, %exp3A_4 : f32
    %div3A = arith.divf %exp3A, %add3A : f32
    %add3A_5 = arith.addf %exp3A, %exp3A_4 : f32
    %div3A_6 = arith.divf %exp3A_4, %add3A_5 : f32
    %get3A_7 = arith.constant 0 : index
    %get3A_8 = arith.constant 0 : index
    %get3A_9 = arith.constant 0 : index
    %get3A_10 = arith.constant 0 : index
    %get3A_11 = vector.load %arg1[%get3A_7, %get3A_8, %get3A_9, %get3A_10] : memref<1x2x2000x128xf32, #tpu.memory_space<vmem>>, vector<1x2x2000x128xf32>
    %get3A_12 = vector.shape_cast %get3A_11 : vector<1x2x2000x128xf32> to vector<2x2000x128xf32>
    %slice3A = vector.extract_strided_slice %get3A_12 {offsets = [0, 0, 64], sizes = [1, 2000, 1], strides = [1, 1, 1]} : vector<2x2000x128xf32> to vector<1x2000x1xf32>
    %squeeze3A = vector.shape_cast %slice3A : vector<1x2000x1xf32> to vector<2000x1xf32>
    %max3A_13 = arith.constant 1.000000e+00 : f32
    %max3A_14 = vector.broadcast %max3A_13 : f32 to vector<2000x1xf32>
    %max3A_15 = arith.maximumf %squeeze3A, %max3A_14 : vector<2000x1xf32>
    %slice3A_16 = vector.extract_strided_slice %get3A_12 {offsets = [1, 0, 64], sizes = [1, 2000, 1], strides = [1, 1, 1]} : vector<2x2000x128xf32> to vector<1x2000x1xf32>
    %squeeze3A_17 = vector.shape_cast %slice3A_16 : vector<1x2000x1xf32> to vector<2000x1xf32>
    %max3A_18 = arith.constant 1.000000e+00 : f32
    %max3A_19 = vector.broadcast %max3A_18 : f32 to vector<2000x1xf32>
    %max3A_20 = arith.maximumf %squeeze3A_17, %max3A_19 : vector<2000x1xf32>
    %slice3A_21 = vector.extract_strided_slice %get3A_12 {offsets = [0, 0, 0], sizes = [1, 2000, 64], strides = [1, 1, 1]} : vector<2x2000x128xf32> to vector<1x2000x64xf32>
    %squeeze3A_22 = vector.shape_cast %slice3A_21 : vector<1x2000x64xf32> to vector<2000x64xf32>
    %div3A_23 = vector.broadcast %max3A_15 : vector<2000x1xf32> to vector<2000x64xf32>
    %div3A_24 = arith.divf %squeeze3A_22, %div3A_23 : vector<2000x64xf32>
    %get3A_25 = arith.constant 0 : index
    %get3A_26 = arith.constant 0 : index
    %get3A_27 = vector.load %arg2[%get3A_25, %get3A_26] : memref<2x64xf32, #tpu.memory_space<vmem>>, vector<1x64xf32>
    %add3A_28 = vector.broadcast %get3A_27 : vector<1x64xf32> to vector<2000x64xf32>
    %add3A_29 = arith.addf %div3A_24, %add3A_28 : vector<2000x64xf32>
    %max3A_30 = arith.constant 0.000000e+00 : f32
    %max3A_31 = vector.broadcast %max3A_30 : f32 to vector<2000x64xf32>
    %max3A_32 = arith.maximumf %add3A_29, %max3A_31 : vector<2000x64xf32>
    %slice3A_33 = vector.extract_strided_slice %get3A_12 {offsets = [1, 0, 0], sizes = [1, 2000, 64], strides = [1, 1, 1]} : vector<2x2000x128xf32> to vector<1x2000x64xf32>
    %squeeze3A_34 = vector.shape_cast %slice3A_33 : vector<1x2000x64xf32> to vector<2000x64xf32>
    %div3A_35 = vector.broadcast %max3A_20 : vector<2000x1xf32> to vector<2000x64xf32>
    %div3A_36 = arith.divf %squeeze3A_34, %div3A_35 : vector<2000x64xf32>
    %get3A_37 = arith.constant 1 : index
    %get3A_38 = arith.constant 0 : index
    %get3A_39 = vector.load %arg2[%get3A_37, %get3A_38] : memref<2x64xf32, #tpu.memory_space<vmem>>, vector<1x64xf32>
    %add3A_40 = vector.broadcast %get3A_39 : vector<1x64xf32> to vector<2000x64xf32>
    %add3A_41 = arith.addf %div3A_36, %add3A_40 : vector<2000x64xf32>
    %max3A_42 = arith.constant 0.000000e+00 : f32
    %max3A_43 = vector.broadcast %max3A_42 : f32 to vector<2000x64xf32>
    %max3A_44 = arith.maximumf %add3A_41, %max3A_43 : vector<2000x64xf32>
    %mul3A = vector.broadcast %div3A : f32 to vector<2000x64xf32>
    %mul3A_45 = arith.mulf %mul3A, %max3A_32 : vector<2000x64xf32>
    %mul3A_46 = vector.broadcast %div3A_6 : f32 to vector<2000x64xf32>
    %mul3A_47 = arith.mulf %mul3A_46, %max3A_44 : vector<2000x64xf32>
    %add3A_48 = arith.addf %mul3A_45, %mul3A_47 : vector<2000x64xf32>
    %swap3A = arith.constant 0 : index
    %swap3A_49 = arith.constant 0 : index
    %swap3A_50 = vector.load %arg6[%swap3A, %swap3A_49] : memref<2000x64xf32, #tpu.memory_space<vmem>>, vector<2000x64xf32>
    tpu.vector_store %arg6[%swap3A, %swap3A_49], %add3A_48 {strides = array<i32>} : memref<2000x64xf32, #tpu.memory_space<vmem>>, vector<2000x64xf32>,
    %get3A_51 = arith.constant 0 : index
    %get3A_52 = arith.constant 0 : index
    %get3A_53 = vector.load %arg4[%get3A_51, %get3A_52] : memref<64x128xf32, #tpu.memory_space<vmem>>, vector<64x128xf32>
    %dot_general3A = arith.constant dense<0.000000e+00> : vector<2000x128xf32>
    %dot_general3A_54 = tpu.matmul %add3A_48, %get3A_53, %dot_general3A {dimension_numbers = #tpu.dot_dimension_numbers<[1], [0], [0], [1], [0, 0, 1, 1], [], []>, transpose_lhs_hint = false} : vector<2000x64xf32>, vector<64x128xf32>, vector<2000x128xf32> -> vector<2000x128xf32>
    %get3A_55 = arith.constant 0 : index
    %get3A_56 = arith.constant 0 : index
    %get3A_57 = vector.load %arg5[%get3A_55, %get3A_56] : memref<1x128xf32, #tpu.memory_space<vmem>>, vector<1x128xf32>
    %add3A_58 = vector.broadcast %get3A_57 : vector<1x128xf32> to vector<2000x128xf32>
    %add3A_59 = arith.addf %dot_general3A_54, %add3A_58 : vector<2000x128xf32>
    %swap3A_60 = arith.constant 0 : index
    %swap3A_61 = arith.constant 0 : index
    %swap3A_62 = vector.load %arg7[%swap3A_60, %swap3A_61] : memref<2000x128xf32, #tpu.memory_space<vmem>>, vector<2000x128xf32>
    tpu.vector_store %arg7[%swap3A_60, %swap3A_61], %add3A_59 {strides = array<i32>} : memref<2000x128xf32, #tpu.memory_space<vmem>>, vector<2000x128xf32>,
    return
  }
  func.func @transform_0(%arg0: i32) -> (i32, i32, i32, i32) {
    %c1_i32 = arith.constant 1 : i32
    %c0_i32 = arith.constant 0 : i32
    %c0_i32_0 = arith.constant 0 : i32
    %c0_i32_1 = arith.constant 0 : i32
    return %c1_i32, %c0_i32, %arg0, %c0_i32_0 : i32, i32, i32, i32
  }
  func.func @transform_1(%arg0: i32) -> (i32, i32) {
    %c0_i32 = arith.constant 0 : i32
    %c0_i32_0 = arith.constant 0 : i32
    %c0_i32_1 = arith.constant 0 : i32
    return %c0_i32, %c0_i32_0 : i32, i32
  }
  func.func @transform_2(%arg0: i32) -> i32 {
    %c0_i32 = arith.constant 0 : i32
    %c0_i32_0 = arith.constant 0 : i32
    return %c0_i32 : i32
  }
  func.func @transform_3(%arg0: i32) -> (i32, i32) {
    %c0_i32 = arith.constant 0 : i32
    %c0_i32_0 = arith.constant 0 : i32
    %c0_i32_1 = arith.constant 0 : i32
    return %c0_i32, %c0_i32_0 : i32, i32
  }
  func.func @transform_4(%arg0: i32) -> (i32, i32) {
    %c0_i32 = arith.constant 0 : i32
    %c0_i32_0 = arith.constant 0 : i32
    %c0_i32_1 = arith.constant 0 : i32
    return %c0_i32, %c0_i32_0 : i32, i32
  }
  func.func @transform_5(%arg0: i32) -> (i32, i32) {
    %c0_i32 = arith.constant 0 : i32
    %c0_i32_0 = arith.constant 0 : i32
    return %arg0, %c0_i32 : i32, i32
  }
  func.func @transform_6(%arg0: i32) -> (i32, i32) {
    %c0_i32 = arith.constant 0 : i32
    %c0_i32_0 = arith.constant 0 : i32
    return %arg0, %c0_i32 : i32, i32
  }
}

</mosaic_0001>

<sc_bundles>
// kernel: kernel.8.cloned.1.call-start
scs
__scs_entry_jumppad:
0x0: {  	(pc) =	sbr.rel $0x88, $3  }
0x1: {  	(tag) =	ssettag $0x0;
	lr =	simm.s32 $0x1  }
0x2: {  	[smem:$0x3F94] =	sst lr;
	_ =	strace $0xD0000000  }
0x3: {  	_ = 	snop  }
0x4: {  	_ = 	snop  }
0x5: {  	_ = 	snop  }
0x6: {  	_ = 	snop  }
0x7: {  	_ = 	snop  }
__scs_overlays_trampoline_lowered:
0x8: {  	[smem:$0x3FA3] =	sst s0  }
0x9: {  	[smem:$0x3FA4] =	sst s1  }
0xa: {  	[smem:$0x3FA5] =	sst s2  }
0xb: {  	[smem:$0x3FA6] =	sst s3  }
0xc: {  	[smem:$0x3FA7] =	sst s4  }
0xd: {  	[smem:$0x3FA8] =	sst s5  }
0xe: {  	[smem:$0x3FA9] =	sst s6  }
0xf: {  	[smem:$0x3FAA] =	sst s7  }
0x10: {  	[smem:$0x3FAB] =	sst s8  }
0x11: {  	[smem:$0x3FAC] =	sst s9;
	s0 =	simm.s32 @!p0 $0x0  }
0x12: {  	s1 =	sld [smem:$0x3F92];
	s0 =	simm.s32 @p0 $0x1  }
0x13: {  	[smem:$0x3FAD] =	sst s0;
	s0 =	simm.s32 @!p1 $0x0  }
0x14: {  	s2 =	sld [smem:$0x3F91];
	s0 =	simm.s32 @p1 $0x1  }
0x15: {  	[smem:$0x3FAE] =	sst s0;
	s0 =	simm.s32 @!p2 $0x0  }
0x16: {  	s3 =	sld [smem:$0x3FDB];
	s0 =	simm.s32 @p2 $0x1  }
0x17: {  	s4 =	simm.s32 $0x1BF5;
	[smem:$0x3FB0] =	sst s0  }
0x18: {  	s0 =	sld [smem:$0x3F93];
	_ =	swait.ge [sflag:s4], $0x0  }
0x19: {  	s7 =	sld [smem:$0x3F94]  }
0x1a: {  	s8 =	sadd.s32 $0xFFFFE003, lr  }
0x1b: {  	s9 =	sadd.s32 $0xFFFFFEF7, lr;
	s5 =	simm.s32 $0xFFFFFFFF;
	p2 =	slt.u32 s8, $0xFFFFF086  }
0x1c: {  	p1 =	slt.u32 s9, $0xF7A;
	s5 =	simm.s32 @!p2 $0x0  }
0x1d: {  	s5 =	simm.s32 @p1 $0x1;
	p0 =	seq.s32 s7, s2  }
0x1e: {  	s7 =	smul.u32 @!p0 $0xF7A, s2;
	p2 =	seq.s32 @!p0 s5, $0x0  }
0x1f: {  	s9 =	smul.u32 $0xF7A, s1;
	s8 =	simm.s32 @!p0 $0x1BF5;
	p2 =	por !p2, p0  }
0x20: {  	[sflag:s8] =	ssyncset.s32 @!p0 $0xFFFFF086;
	s6 =	sadd.s32 @!p0 s3, s7;
	s7 =	simm.s32 @!p0 $0x108  }
0x21: {  	s3 =	sadd.s32 s3, s9;
	s6 =	sadd.s32 @!p0 $0x88, s6;
	s7 =	simm.s32 @p2 $0x1082  }
0x22: {  	[simem:s7], [sflag:s8] =	dma.local @!p0 [hbm:s6], $0xF7A  }
0x23: {  	s9 =	sor.u32 $0xD0000000, s2;
	s6 =	simm.s32 $0x108;
	_ =	swait.ge @!p0 [sflag:s8], $0x0  }
0x24: {  	s3 =	sadd.s32 $0x88, s3;
	s6 =	simm.s32 @!p1 $0x1082;
	[sflag:s4] =	ssyncset.s32 $0xFFFFF086  }
0x25: {  	[simem:s6], [sflag:s4] =	dma.local [hbm:s3], $0xF7A  }
0x26: {  	[smem:$0x3F94] =	sst s1;
	(tag) =	ssettag s2;
	_ =	strace s9  }
0x27: {  	s1 =	sld [smem:$0x3FA4]  }
0x28: {  	s2 =	sld [smem:$0x3FA5]  }
0x29: {  	s4 =	sld [smem:$0x3FA7]  }
0x2a: {  	p0 =	seq.s32 s5, $0x0;
	s5 =	sld [smem:$0x3FA8]  }
0x2b: {  	s6 =	sld [smem:$0x3FA9]  }
0x2c: {  	s7 =	sld [smem:$0x3FAA]  }
0x2d: {  	s3 =	simm.s32 $0x108;
	s8 =	sld [smem:$0x3FAB]  }
0x2e: {  	s3 =	simm.s32 @!p0 $0x1082;
	s9 =	sld [smem:$0x3FAC]  }
0x2f: {  	lr =	sadd.s32 s0, s3;
	s0 =	sld [smem:$0x3FA3]  }
0x30: {  	s3 =	sld [smem:$0x3FA6]  }
0x31: {  	[smem:$0x3FAF] =	sst s10  }
0x32: {  	s10 =	sld [smem:$0x3FAD];
	_ =	sdelay $0x3  }
0x33: {  	p0 =	seq.s32 s10, $0x1;
	s10 =	sld [smem:$0x3FAF];
	_ =	sdelay $0x3  }
0x34: {  	[smem:$0x3FAF] =	sst s10  }
0x35: {  	s10 =	sld [smem:$0x3FAE];
	_ =	sdelay $0x3  }
0x36: {  	p1 =	seq.s32 s10, $0x1;
	s10 =	sld [smem:$0x3FAF];
	_ =	sdelay $0x3  }
0x37: {  	[smem:$0x3FAF] =	sst s10  }
0x38: {  	s10 =	sld [smem:$0x3FB0]  }
0x39: {  	_ = 	snop;
	(pc) =	sbr.ind lr, $3  }
0x3a: {  	_ = 	snop  }
0x3b: {  	_ = 	snop  }
0x3c: {  	p2 =	seq.s32 s10, $0x1;
	s10 =	sld [smem:$0x3FAF]  }
0x3d: {  	_ =	shalt  }
0x3e: {  	_ =	shalt  }
0x3f: {  	_ =	shalt  }
0x40: {  	_ =	shalt  }
0x41: {  	_ =	shalt  }
0x42: {  	_ =	shalt  }
0x43: {  	_ =	shalt  }
0x44: {  	_ =	shalt  }
0x45: {  	_ =	shalt  }
0x46: {  	_ =	shalt  }
0x47: {  	_ =	shalt  }
0x48: {  	_ =	shalt  }
0x49: {  	_ =	shalt  }
0x4a: {  	_ =	shalt  }
0x4b: {  	_ =	shalt  }
0x4c: {  	_ =	shalt  }
0x4d: {  	_ =	shalt  }
0x4e: {  	_ =	shalt  }
0x4f: {  	_ =	shalt  }
0x50: {  	_ =	shalt  }
0x51: {  	_ =	shalt  }
0x52: {  	_ =	shalt  }
0x53: {  	_ =	shalt  }
0x54: {  	_ =	shalt  }
0x55: {  	_ =	shalt  }
0x56: {  	_ =	shalt  }
0x57: {  	_ =	shalt  }
0x58: {  	_ =	shalt  }
0x59: {  	_ =	shalt  }
0x5a: {  	_ =	shalt  }
0x5b: {  	_ =	shalt  }
0x5c: {  	_ =	shalt  }
0x5d: {  	_ =	shalt  }
0x5e: {  	_ =	shalt  }
0x5f: {  	_ =	shalt  }
0x60: {  	_ =	shalt  }
0x61: {  	_ =	shalt  }
0x62: {  	_ =	shalt  }
0x63: {  	_ =	shalt  }
0x64: {  	_ =	shalt  }
0x65: {  	_ =	shalt  }
0x66: {  	_ =	shalt  }
0x67: {  	_ =	shalt  }
0x68: {  	_ =	shalt  }
0x69: {  	_ =	shalt  }
0x6a: {  	_ =	shalt  }
0x6b: {  	_ =	shalt  }
0x6c: {  	_ =	shalt  }
0x6d: {  	_ =	shalt  }
0x6e: {  	_ =	shalt  }
0x6f: {  	_ =	shalt  }
0x70: {  	_ =	shalt  }
0x71: {  	_ =	shalt  }
0x72: {  	_ =	shalt  }
0x73: {  	_ =	shalt  }
0x74: {  	_ =	shalt  }
0x75: {  	_ =	shalt  }
0x76: {  	_ =	shalt  }
0x77: {  	_ =	shalt  }
0x78: {  	_ =	shalt  }
0x79: {  	_ =	shalt  }
0x7a: {  	_ =	shalt  }
0x7b: {  	_ =	shalt  }
0x7c: {  	_ =	shalt  }
0x7d: {  	_ =	shalt  }
0x7e: {  	_ =	shalt  }
0x7f: {  	_ =	shalt  }
0x80: {  	_ =	shalt  }
0x81: {  	_ =	shalt  }
0x82: {  	_ =	shalt  }
0x83: {  	_ =	shalt  }
0x84: {  	_ =	shalt  }
0x85: {  	_ =	shalt  }
0x86: {  	_ =	shalt  }
0x87: {  	_ =	shalt  }
.Lfunc_end0:
.L_simem_size_0:
called_computation_lowered:
.L_overlay_start_0:
0x88: {  	s2 =	sld [smem:$0x3FD9]  }
0x89: {  	s3 =	sld [smem:$0x3FFE];
	_ =	sdelay $0x1  }
0x8a: {  	s1 =	srdreg.scid  }
0x8b: {  	s0 =	sand.u32 $0x1, s1  }
0x8c: {  	s14 =	sshll.u32 s0, $0xA;
	s2 =	sadd.s32 s3, s2  }
0x8d: {  	s2 =	sadd.s32 s2, s14  }
0x8e: {  	[smem:$0x3FBB] =	sst s2  }
0x8f: {  	_ = 	snop  }
0x90: {  	s2 =	sld [smem:$0x3FD0];
	_ =	sdelay $0x2  }
0x91: {  	s15 =	simm.s32 $0xA;
	s4 =	simm.s32 $0x10  }
0x92: {  	[smem:s4], [sflag:s15] =	dma.local [hbm:s2], $0x1  }
0x93: {  	_ =	swait.eq [sflag:s15], $0x1  }
0x94: {  	s16 =	sld [smem:$0x11];
	[sflag:s15] =	ssyncset.done $0x0  }
0x95: {  	s17 =	sld [smem:$0x13];
	[sflag:s15] =	ssyncadd.s32 $0xFFFFFFFF  }
0x96: {  	s18 =	sld [smem:$0x15];
	(tm) =	ssettm $0x1  }
0x97: {  	s5 =	sld [smem:$0x3FFB];
	_ =	sdelay $0x3  }
0x98: {  	_ =	strace s5  }
0x99: {  	s5 =	sld [smem:$0x3FFC];
	_ =	sdelay $0x3  }
0x9a: {  	_ =	strace s5  }
0x9b: {  	s5 =	sld [smem:$0x3FFD];
	_ =	sdelay $0x3  }
0x9c: {  	_ =	strace s5  }
0x9d: {  	_ =	strace $0x8FFFFFFF  }
0x9e: {  	s19 =	sld [smem:$0x3FDB];
	_ =	sdelay $0x1  }
0x9f: {  	s6 =	simm.s32 $_scs_section_size  }
0xa0: {  	s7 =	simm.s32 $_size__tile_overlayer_lowered;
	s8 =	simm.s32 $_tile_overlayer_lowered  }
0xa1: {  	s22 =	simm.s32 $0x1BFF;
	s21 =	sshll.u32 s8, $0x1;
	s5 =	sadd.s32 s6, s19  }
0xa2: {  	s9 =	simm.s32 $0x0;
	s20 =	sshll.u32 s7, $0x1;
	s7 =	sadd.s32 s21, s5  }
0xa3: {  	[timem:s9], [sflag:s22] =	dma.local [hbm:s7], s20  }
0xa4: {  	_ =	swait.ge [sflag:s22], s20  }
0xa5: {  	s6 =	ssub.s32 $0x0, s20;
	[sflag:s22] =	ssyncset.done $0x0  }
0xa6: {  	[sflag:s22] =	ssyncadd.s32 s6;
	_ =	sdelay $0x1  }
0xa7: {  	s23 =	simm.s32 $0x1B8B  }
0xa8: {  	_ =	swait.ge [sflag:s23], $0x1  }
0xa9: {  	[sflag:s23] =	ssyncset.done $0x0  }
0xaa: {  	s25 =	simm.s32 $0x1B8E;
	s24 =	sld [smem:$0x3FFE];
	[sflag:s23] =	ssyncadd.s32 $0xFFFFFFFF  }
0xab: {  	s26 =	simm.s32 $execute0_lowered;
	[smem:$0x3FD2] =	sst s25  }
0xac: {  	s7 =	sshll.u32 s26, $0x1;
	_ =	strace $0x80000046;
	[dreg:$0x1] =	wrdreg $0xFFFFFFFF  }
0xad: {  	s28 =	simm.s32 $_size_execute0_lowered;
	s5 =	sadd.s32 s5, s7;
	[dreg:$0x0] =	wrdreg $0x0  }
0xae: {  	s7 =	sshll.u32 s28, $0x1;
	[dreg:$0x2] =	wrdreg s5  }
0xaf: {  	[dreg:$0x3] =	wrdreg s7  }
0xb0: {  	[dreg:$0x4] =	wrdreg $0xC0  }
0xb1: {  	_ =	task [dreg:s9], $0x5FFFF  }
0xb2: {  	[dreg:$0x1] =	wrdreg $0xFFFFFFFF  }
0xb3: {  	[dreg:$0x0] =	wrdreg $0x60  }
0xb4: {  	[dreg:$0x2] =	wrdreg s16  }
0xb5: {  	[dreg:$0x3] =	wrdreg s24  }
0xb6: {  	[dreg:$0x4] =	wrdreg s18  }
0xb7: {  	[dreg:$0x5] =	wrdreg s17  }
0xb8: {  	[dreg:$0x6] =	wrdreg $0x0  }
0xb9: {  	[dreg:$0x7] =	wrdreg $0x9  }
0xba: {  	_ =	task.clear_ibuf [dreg:s9], $0x8FFFF;
	_ =	strace $0x90000046  }
0xbb: {  	s29 =	simm.s32 $0x9;
	_ =	strace $0x80000048  }
0xbc: {  	_ =	swait.ge [sflag:s29], $0x1  }
0xbd: {  	[sflag:s29] =	ssyncadd.s32 $0xFFFFFFFF  }
0xbe: {  	_ =	strace $0x90000048  }
0xbf: {  	_ =	sfence  }
0xc0: {  	s30 =	sld [smem:$0x0];
	_ =	sdelay $0x2  }
0xc1: {  	s31 =	sshll.u32 s1, $0xD;
	s1 =	sshrl.u32 s1, $0x2  }
0xc2: {  	s3 =	sand.u32 $0x4000, s31;
	s1 =	sadd.s32 s1, s30  }
0xc3: {  	s0 =	sor.u32 s3, s0;
	s1 =	sshll.u32 s1, $0x11  }
0xc4: {  	s0 =	sor.u32 s1, s0  }
0xc5: {  	s0 =	sadd.s32 $0x8F2B, s0  }
0xc6: {  	[sflag:s0] =	ssyncadd.remote.s32 $0x1  }
0xc7: {  	_ =	sfence.sel $0xFFFF  }
0xc8: {  	[dreg:$0x0] =	wrdreg $0xFFFFFFFF;
	(pc) =	sbr.abs _section_cstart, $3  }
0xc9: {  	[dreg:$0x1] =	wrdreg $0xFFFFFFFF  }
0xca: {  	_ =	task.clear_ibuf [dreg:s9], $0x2FFFF;
	_ =	strace $0x9FFFFFFF  }
0xcb: {  	(tm) =	ssettm $0x7FFFFFFF  }
tec
execute0_lowered:
.L_overlay_start_1:
0x0: {  	(tag) =	ssettag $0x1  }
0x1: {  	s1 =	rddreg [dreg:$0x0]  }
0x2: {  	s0 =	rddreg [dreg:$0x1]  }
0x3: {  	s2 =	rddreg [dreg:$0x3]  }
0x4: {  	s4 =	rddreg [dreg:$0x4]  }
0x5: {  	s5 =	simm.s32 $0x0;
	s3 =	srdreg.scid;
	s12 =	stileid.u32  }
0x6: {  	s13 =	simm.s32 $0x3;
	s14 =	simm.s32 $0x14000;
	s15 =	simm.s32 $0x14400  }
0x7: {  	s16 =	simm.s32 $0x7D;
	s17 =	simm.s32 $0x14800;
	s18 =	simm.s32 $0x1  }
0x8: {  	s20 =	simm.s32 $0x18800;
	s21 =	simm.s32 $0x2;
	s28 =	simm.s32 $0x14200  }
0x9: {  	s29 =	simm.s32 $0x14580;
	s30 =	simm.s32 $0x14280;
	s31 =	simm.s32 $0x14600  }
0xa: {  	s19 =	simm.s32 $0x14780;
	[smem:$0x7FF] =	sst s5;
	s6 =	smul.u32 $0x50000, s12  }
0xb: {  	s3 =	sand.u32 $0x1, s3;
	s8 =	sadd.s32 $0x2A400, s0;
	s11 =	smul.u32 $0x14000, s12  }
0xc: {  	s0 =	sadd.s32 $0x2400, s0;
	s22 =	smul.u32 $0x5000, s12;
	s12 =	sshll.u32 s12, $0x6  }
0xd: {  	_ =	strace $0x80000047;
	s7 =	smul.u32 $0xA0000, s3;
	s9 =	ssub.s32 $0x2, s3  }
0xe: {  	s3 =	smul.u32 $0x280000, s3;
	s12 =	sor.u32 $0x1C03, s12;
	s10 =	sshrl.u32 s9, $0x1  }
0xf: {  	s6 =	sshrl.u32 s6, $0x2;
	[dreg:$0x9] =	wrdreg s12;
	s9 =	ssub.s32 s9, s10  }
0x10: {  	s6 =	sadd.s32 s6, s4;
	s3 =	sadd.s32 s11, s3;
	s7 =	sadd.s32 s22, s7  }
0x11: {  	s22 =	simm.s32 $0x14080;
	s11 =	simm.s32 $0x0;
	s3 =	sshrl.u32 s3, $0x3  }
0x12: {  	s24 =	sshrl.u32 s7, $0x3;
	s25 =	sadd.s32 $0x50000, s7;
	s9 =	smax.u32 s9, $0x1  }
0x13: {  	s7 =	sshrl.u32 s6, $0x3;
	[dreg:$0xe] =	wrdreg s11;
	s23 =	sadd.s32 s2, s3  }
0x14: {  	s10 =	sadd.s32 s24, s0;
	s3 =	sshrl.u32 s25, $0x3;
	[dreg:$0xc] =	wrdreg s9  }
0x15: {  	s9 =	sadd.s32 s24, s8;
	s24 =	simm.s32 $0x14480;
	[dreg:$0xd] =	wrdreg s7  }
0x16: {  	s25 =	simm.s32 $0x14180;
	s2 =	simm.s32 $0x14380;
	[dreg:$0xa] =	wrdreg s23  }
0x17: {  	s26 =	sadd.s32 $0x28000, s23;
	[dreg:$0x6] =	wrdreg s10;
	s0 =	sadd.s32 s3, s0  }
0x18: {  	s10 =	sadd.s32 s3, s8;
	s23 =	simm.s32 $0x14100;
	[dreg:$0xb] =	wrdreg s26  }
0x19: {  	s3 =	simm.s32 $0x14680;
	s8 =	simm.s32 $0x14700;
	[dreg:$0x7] =	wrdreg s0  }
0x1a: {  	s26 =	simm.s32 $0x14500;
	s0 =	simm.s32 $0x14300;
	[dreg:$0x8] =	wrdreg s10  }
.LBB2_1:
0x1b: {  	s6 =	rddreg [dreg:$0x2]  }
0x1c: {  	[spmem:s7], [sflag:s12] =	dma.local [hbm:s6], $0x2800  }
0x1d: {  	_ =	swait.ge [sflag:s13], $0x2800  }
0x1e: {  	[sflag:s13] =	ssyncset.done $0x0  }
0x1f: {  	[sflag:s13] =	ssyncadd.s32 $0xFFFFD800  }
0x20: {  	s11 =	sadd.s32 $0x0, s9;
	[bflag:$0x0] =	sbarrier.arrive $0xFFFF  }
0x21: {  	[tilespmem:s14], [sflag:$0x3] =	stream.linear.gather [hbm4b:s11+s5], $0x400, $0x38;
	[tilespmem:$0x1C800] =	vst v63  }
0x22: {  	_ =	swait.ge [sflag:s13], $0x400  }
0x23: {  	s12 =	rddreg [dreg:$0x6];
	[sflag:s13] =	ssyncset.done $0x0  }
0x24: {  	[sflag:s13] =	ssyncadd.s32 $0xFFFFFC00;
	s6 =	sadd.s32 $0x0, s12  }
0x25: {  	[tilespmem:s15], [sflag:$0x3] =	stream.linear.gather [hbm4b:s6+s5], $0x400, $0x38;
	[tilespmem:$0x1C800] =	vst v63  }
0x26: {  	_ =	swait.ge [sflag:s13], $0x400  }
0x27: {  	[sflag:s13] =	ssyncset.done $0x0  }
0x28: {  	[sflag:s13] =	ssyncadd.s32 $0xFFFFFC00  }
0x29: {  	[tilespmem:s17], [sflag:$0x1] =	stream.indirect.gather [hbm4b:s1+s16], $0x80, s14, s16, $0xb8;
	[tilespmem:$0x1C800] =	vst v63  }
0x2a: {  	_ =	swait.ge [sflag:s18], $0x3E80  }
0x2b: {  	[sflag:s18] =	ssyncset.done $0x0  }
0x2c: {  	[sflag:s18] =	ssyncadd.s32 $0xFFFFC180  }
0x2d: {  	[tilespmem:s20], [sflag:$0x2] =	stream.indirect.gather [hbm4b:s1+s16], $0x80, s22, s16, $0xb8;
	[tilespmem:$0x1C800] =	vst v63  }
0x2e: {  	_ = 	snop  }
0x2f: {  	[spmem:s4] =	stream.indirect.scatter.add.f32 [tilespmem:s17], [sflag:$0x3], $0x80, s15, s16, $0xb8;
	[tilespmem:$0x1C800] =	vst v63  }
0x30: {  	_ =	swait.ge [sflag:s13], $0x3E80  }
0x31: {  	[sflag:s13] =	ssyncset.done $0x0  }
0x32: {  	[sflag:s13] =	ssyncadd.s32 $0xFFFFC180  }
0x33: {  	_ =	swait.ge [sflag:s21], $0x3E80  }
0x34: {  	[sflag:s21] =	ssyncset.done $0x0  }
0x35: {  	[sflag:s21] =	ssyncadd.s32 $0xFFFFC180  }
0x36: {  	[tilespmem:s17], [sflag:$0x1] =	stream.indirect.gather [hbm4b:s1+s16], $0x80, s23, s16, $0xb8;
	[tilespmem:$0x1C800] =	vst v63  }
0x37: {  	_ = 	snop  }
0x38: {  	[spmem:s4] =	stream.indirect.scatter.add.f32 [tilespmem:s20], [sflag:$0x3], $0x80, s24, s16, $0xb8;
	[tilespmem:$0x1C800] =	vst v63  }
0x39: {  	_ =	swait.ge [sflag:s13], $0x3E80  }
0x3a: {  	[sflag:s13] =	ssyncset.done $0x0  }
0x3b: {  	[sflag:s13] =	ssyncadd.s32 $0xFFFFC180  }
0x3c: {  	_ =	swait.ge [sflag:s18], $0x3E80  }
0x3d: {  	[sflag:s18] =	ssyncset.done $0x0  }
0x3e: {  	[sflag:s18] =	ssyncadd.s32 $0xFFFFC180  }
0x3f: {  	[tilespmem:s20], [sflag:$0x2] =	stream.indirect.gather [hbm4b:s1+s16], $0x80, s25, s16, $0xb8;
	[tilespmem:$0x1C800] =	vst v63  }
0x40: {  	_ = 	snop  }
0x41: {  	[spmem:s4] =	stream.indirect.scatter.add.f32 [tilespmem:s17], [sflag:$0x3], $0x80, s26, s16, $0xb8;
	[tilespmem:$0x1C800] =	vst v63  }
0x42: {  	_ =	swait.ge [sflag:s13], $0x3E80  }
0x43: {  	[sflag:s13] =	ssyncset.done $0x0  }
0x44: {  	[sflag:s13] =	ssyncadd.s32 $0xFFFFC180  }
0x45: {  	_ =	swait.ge [sflag:s21], $0x3E80  }
0x46: {  	[sflag:s21] =	ssyncset.done $0x0  }
0x47: {  	[sflag:s21] =	ssyncadd.s32 $0xFFFFC180  }
0x48: {  	[tilespmem:s17], [sflag:$0x1] =	stream.indirect.gather [hbm4b:s1+s16], $0x80, s28, s16, $0xb8;
	[tilespmem:$0x1C800] =	vst v63  }
0x49: {  	_ = 	snop  }
0x4a: {  	[spmem:s4] =	stream.indirect.scatter.add.f32 [tilespmem:s20], [sflag:$0x3], $0x80, s29, s16, $0xb8;
	[tilespmem:$0x1C800] =	vst v63  }
0x4b: {  	_ =	swait.ge [sflag:s13], $0x3E80  }
0x4c: {  	[sflag:s13] =	ssyncset.done $0x0  }
0x4d: {  	[sflag:s13] =	ssyncadd.s32 $0xFFFFC180  }
0x4e: {  	_ =	swait.ge [sflag:s18], $0x3E80  }
0x4f: {  	[sflag:s18] =	ssyncset.done $0x0  }
0x50: {  	[sflag:s18] =	ssyncadd.s32 $0xFFFFC180  }
0x51: {  	[tilespmem:s20], [sflag:$0x2] =	stream.indirect.gather [hbm4b:s1+s16], $0x80, s30, s16, $0xb8;
	[tilespmem:$0x1C800] =	vst v63  }
0x52: {  	_ = 	snop  }
0x53: {  	[spmem:s4] =	stream.indirect.scatter.add.f32 [tilespmem:s17], [sflag:$0x3], $0x80, s31, s16, $0xb8;
	[tilespmem:$0x1C800] =	vst v63  }
0x54: {  	_ =	swait.ge [sflag:s13], $0x3E80  }
0x55: {  	[sflag:s13] =	ssyncset.done $0x0  }
0x56: {  	[sflag:s13] =	ssyncadd.s32 $0xFFFFC180  }
0x57: {  	_ =	swait.ge [sflag:s21], $0x3E80  }
0x58: {  	[sflag:s21] =	ssyncset.done $0x0  }
0x59: {  	[sflag:s21] =	ssyncadd.s32 $0xFFFFC180  }
0x5a: {  	[tilespmem:s17], [sflag:$0x1] =	stream.indirect.gather [hbm4b:s1+s16], $0x80, s0, s16, $0xb8;
	[tilespmem:$0x1C800] =	vst v63  }
0x5b: {  	_ = 	snop  }
0x5c: {  	[spmem:s4] =	stream.indirect.scatter.add.f32 [tilespmem:s20], [sflag:$0x3], $0x80, s3, s16, $0xb8;
	[tilespmem:$0x1C800] =	vst v63  }
0x5d: {  	_ =	swait.ge [sflag:s13], $0x3E80  }
0x5e: {  	[sflag:s13] =	ssyncset.done $0x0  }
0x5f: {  	[sflag:s13] =	ssyncadd.s32 $0xFFFFC180  }
0x60: {  	_ =	swait.ge [sflag:s18], $0x3E80  }
0x61: {  	[sflag:s18] =	ssyncset.done $0x0  }
0x62: {  	[sflag:s18] =	ssyncadd.s32 $0xFFFFC180  }
0x63: {  	[tilespmem:s20], [sflag:$0x2] =	stream.indirect.gather [hbm4b:s1+s16], $0x80, s2, s16, $0xb8;
	[tilespmem:$0x1C800] =	vst v63  }
0x64: {  	_ = 	snop  }
0x65: {  	[spmem:s4] =	stream.indirect.scatter.add.f32 [tilespmem:s17], [sflag:$0x3], $0x80, s8, s16, $0xb8;
	[tilespmem:$0x1C800] =	vst v63  }
0x66: {  	_ =	swait.ge [sflag:s13], $0x3E80  }
0x67: {  	[sflag:s13] =	ssyncset.done $0x0  }
0x68: {  	[sflag:s13] =	ssyncadd.s32 $0xFFFFC180  }
0x69: {  	_ =	swait.ge [sflag:s21], $0x3E80  }
0x6a: {  	[sflag:s21] =	ssyncset.done $0x0  }
0x6b: {  	[sflag:s21] =	ssyncadd.s32 $0xFFFFC180  }
0x6c: {  	[spmem:s4] =	stream.indirect.scatter.add.f32 [tilespmem:s20], [sflag:$0x3], $0x80, s19, s16, $0xb8;
	[tilespmem:$0x1C800] =	vst v63  }
0x6d: {  	_ =	swait.ge [sflag:s13], $0x3E80  }
0x6e: {  	s7 =	simm.s32 $0x80;
	s6 =	simm.s32 $0x100;
	[sflag:s13] =	ssyncset.done $0x0  }
.LBB2_2:
0x6f: {  	s11 =	smov.u32 s9;
	s9 =	sadd.s32 s7, s9;
	[sflag:s13] =	ssyncadd.s32 $0xFFFFC180  }
0x70: {  	[tilespmem:s14], [sflag:$0x3] =	stream.linear.gather [hbm4b:s9+s5], $0x400, $0x38;
	[tilespmem:$0x1C800] =	vst v63  }
0x71: {  	s10 =	smov.u32 s6;
	s12 =	sadd.s32 $0x80, s6;
	_ =	swait.ge [sflag:s13], $0x400  }
0x72: {  	p0 =	sne.s32 s6, $0x980;
	s6 =	rddreg [dreg:$0x6];
	[sflag:s13] =	ssyncset.done $0x0  }
0x73: {  	[sflag:s13] =	ssyncadd.s32 $0xFFFFFC00;
	s6 =	sadd.s32 s7, s6  }
0x74: {  	[tilespmem:s15], [sflag:$0x3] =	stream.linear.gather [hbm4b:s6+s5], $0x400, $0x38;
	[tilespmem:$0x1C800] =	vst v63  }
0x75: {  	_ =	swait.ge [sflag:s13], $0x400  }
0x76: {  	[sflag:s13] =	ssyncset.done $0x0  }
0x77: {  	[sflag:s13] =	ssyncadd.s32 $0xFFFFFC00  }
0x78: {  	[tilespmem:s17], [sflag:$0x1] =	stream.indirect.gather [hbm4b:s1+s16], $0x80, s14, s16, $0xb8;
	[tilespmem:$0x1C800] =	vst v63  }
0x79: {  	_ =	swait.ge [sflag:s18], $0x3E80  }
0x7a: {  	[sflag:s18] =	ssyncset.done $0x0  }
0x7b: {  	[sflag:s18] =	ssyncadd.s32 $0xFFFFC180  }
0x7c: {  	[tilespmem:s20], [sflag:$0x2] =	stream.indirect.gather [hbm4b:s1+s16], $0x80, s22, s16, $0xb8;
	[tilespmem:$0x1C800] =	vst v63  }
0x7d: {  	_ = 	snop  }
0x7e: {  	[spmem:s4] =	stream.indirect.scatter.add.f32 [tilespmem:s17], [sflag:$0x3], $0x80, s15, s16, $0xb8;
	[tilespmem:$0x1C800] =	vst v63  }
0x7f: {  	_ =	swait.ge [sflag:s13], $0x3E80  }
0x80: {  	[sflag:s13] =	ssyncset.done $0x0  }
0x81: {  	[sflag:s13] =	ssyncadd.s32 $0xFFFFC180  }
0x82: {  	_ =	swait.ge [sflag:s21], $0x3E80  }
0x83: {  	[sflag:s21] =	ssyncset.done $0x0  }
0x84: {  	[sflag:s21] =	ssyncadd.s32 $0xFFFFC180  }
0x85: {  	[tilespmem:s17], [sflag:$0x1] =	stream.indirect.gather [hbm4b:s1+s16], $0x80, s23, s16, $0xb8;
	[tilespmem:$0x1C800] =	vst v63  }
0x86: {  	_ = 	snop  }
0x87: {  	[spmem:s4] =	stream.indirect.scatter.add.f32 [tilespmem:s20], [sflag:$0x3], $0x80, s24, s16, $0xb8;
	[tilespmem:$0x1C800] =	vst v63  }
0x88: {  	_ =	swait.ge [sflag:s13], $0x3E80  }
0x89: {  	[sflag:s13] =	ssyncset.done $0x0  }
0x8a: {  	[sflag:s13] =	ssyncadd.s32 $0xFFFFC180  }
0x8b: {  	_ =	swait.ge [sflag:s18], $0x3E80  }
0x8c: {  	[sflag:s18] =	ssyncset.done $0x0  }
0x8d: {  	[sflag:s18] =	ssyncadd.s32 $0xFFFFC180  }
0x8e: {  	[tilespmem:s20], [sflag:$0x2] =	stream.indirect.gather [hbm4b:s1+s16], $0x80, s25, s16, $0xb8;
	[tilespmem:$0x1C800] =	vst v63  }
0x8f: {  	_ = 	snop  }
0x90: {  	[spmem:s4] =	stream.indirect.scatter.add.f32 [tilespmem:s17], [sflag:$0x3], $0x80, s26, s16, $0xb8;
	[tilespmem:$0x1C800] =	vst v63  }
0x91: {  	_ =	swait.ge [sflag:s13], $0x3E80  }
0x92: {  	[sflag:s13] =	ssyncset.done $0x0  }
0x93: {  	[sflag:s13] =	ssyncadd.s32 $0xFFFFC180  }
0x94: {  	_ =	swait.ge [sflag:s21], $0x3E80  }
0x95: {  	[sflag:s21] =	ssyncset.done $0x0  }
0x96: {  	[sflag:s21] =	ssyncadd.s32 $0xFFFFC180  }
0x97: {  	[tilespmem:s17], [sflag:$0x1] =	stream.indirect.gather [hbm4b:s1+s16], $0x80, s28, s16, $0xb8;
	[tilespmem:$0x1C800] =	vst v63  }
0x98: {  	_ = 	snop  }
0x99: {  	[spmem:s4] =	stream.indirect.scatter.add.f32 [tilespmem:s20], [sflag:$0x3], $0x80, s29, s16, $0xb8;
	[tilespmem:$0x1C800] =	vst v63  }
0x9a: {  	_ =	swait.ge [sflag:s13], $0x3E80  }
0x9b: {  	[sflag:s13] =	ssyncset.done $0x0  }
0x9c: {  	[sflag:s13] =	ssyncadd.s32 $0xFFFFC180  }
0x9d: {  	_ =	swait.ge [sflag:s18], $0x3E80  }
0x9e: {  	[sflag:s18] =	ssyncset.done $0x0  }
0x9f: {  	[sflag:s18] =	ssyncadd.s32 $0xFFFFC180  }
0xa0: {  	[tilespmem:s20], [sflag:$0x2] =	stream.indirect.gather [hbm4b:s1+s16], $0x80, s30, s16, $0xb8;
	[tilespmem:$0x1C800] =	vst v63  }
0xa1: {  	_ = 	snop  }
0xa2: {  	[spmem:s4] =	stream.indirect.scatter.add.f32 [tilespmem:s17], [sflag:$0x3], $0x80, s31, s16, $0xb8;
	[tilespmem:$0x1C800] =	vst v63  }
0xa3: {  	_ =	swait.ge [sflag:s13], $0x3E80  }
0xa4: {  	[sflag:s13] =	ssyncset.done $0x0  }
0xa5: {  	[sflag:s13] =	ssyncadd.s32 $0xFFFFC180  }
0xa6: {  	_ =	swait.ge [sflag:s21], $0x3E80  }
0xa7: {  	[sflag:s21] =	ssyncset.done $0x0  }
0xa8: {  	[sflag:s21] =	ssyncadd.s32 $0xFFFFC180  }
0xa9: {  	[tilespmem:s17], [sflag:$0x1] =	stream.indirect.gather [hbm4b:s1+s16], $0x80, s0, s16, $0xb8;
	[tilespmem:$0x1C800] =	vst v63  }
0xaa: {  	_ = 	snop  }
0xab: {  	[spmem:s4] =	stream.indirect.scatter.add.f32 [tilespmem:s20], [sflag:$0x3], $0x80, s3, s16, $0xb8;
	[tilespmem:$0x1C800] =	vst v63  }
0xac: {  	_ =	swait.ge [sflag:s13], $0x3E80  }
0xad: {  	[sflag:s13] =	ssyncset.done $0x0  }
0xae: {  	[sflag:s13] =	ssyncadd.s32 $0xFFFFC180  }
0xaf: {  	_ =	swait.ge [sflag:s18], $0x3E80  }
0xb0: {  	[sflag:s18] =	ssyncset.done $0x0  }
0xb1: {  	[sflag:s18] =	ssyncadd.s32 $0xFFFFC180  }
0xb2: {  	[tilespmem:s20], [sflag:$0x2] =	stream.indirect.gather [hbm4b:s1+s16], $0x80, s2, s16, $0xb8;
	[tilespmem:$0x1C800] =	vst v63  }
0xb3: {  	_ = 	snop  }
0xb4: {  	[spmem:s4] =	stream.indirect.scatter.add.f32 [tilespmem:s17], [sflag:$0x3], $0x80, s8, s16, $0xb8;
	[tilespmem:$0x1C800] =	vst v63  }
0xb5: {  	_ =	swait.ge [sflag:s13], $0x3E80  }
0xb6: {  	[sflag:s13] =	ssyncset.done $0x0  }
0xb7: {  	[sflag:s13] =	ssyncadd.s32 $0xFFFFC180  }
0xb8: {  	_ =	swait.ge [sflag:s21], $0x3E80  }
.Ltmp0:
0xb9: {  	[sflag:s21] =	ssyncset.done $0x0;
	(pc) =	sbr.rel @p0 .LBB2_2-.Ltmp0, $4  }
0xba: {  	[sflag:s21] =	ssyncadd.s32 $0xFFFFC180  }
0xbb: {  	[spmem:s4] =	stream.indirect.scatter.add.f32 [tilespmem:s20], [sflag:$0x3], $0x80, s19, s16, $0xb8;
	[tilespmem:$0x1C800] =	vst v63  }
0xbc: {  	s9 =	smov.u32 s11;
	_ =	swait.ge [sflag:s13], $0x3E80  }
0xbd: {  	s7 =	smov.u32 s10;
	s6 =	smov.u32 s12;
	[sflag:s13] =	ssyncset.done $0x0  }
0xbe: {  	s6 =	sadd.s32 s7, s9;
	[sflag:s13] =	ssyncadd.s32 $0xFFFFC180  }
0xbf: {  	[tilespmem:s14], [sflag:$0x3] =	stream.linear.gather [hbm4b:s6+s5], $0x400, $0x38;
	[tilespmem:$0x1C800] =	vst v63  }
0xc0: {  	_ =	swait.ge [sflag:s13], $0x400  }
0xc1: {  	s22 =	rddreg [dreg:$0x6];
	[sflag:s13] =	ssyncset.done $0x0  }
0xc2: {  	[sflag:s13] =	ssyncadd.s32 $0xFFFFFC00;
	s6 =	sadd.s32 s7, s22  }
0xc3: {  	[tilespmem:s15], [sflag:$0x3] =	stream.linear.gather [hbm4b:s6+s5], $0x400, $0x38;
	[tilespmem:$0x1C800] =	vst v63  }
0xc4: {  	_ =	swait.ge [sflag:s13], $0x400  }
0xc5: {  	[sflag:s13] =	ssyncset.done $0x0  }
0xc6: {  	[sflag:s13] =	ssyncadd.s32 $0xFFFFFC00  }
0xc7: {  	[tilespmem:s17], [sflag:$0x1] =	stream.indirect.gather [hbm4b:s1+s16], $0x80, s14, s16, $0xb8;
	[tilespmem:$0x1C800] =	vst v63  }
0xc8: {  	_ =	swait.ge [sflag:s18], $0x3E80  }
0xc9: {  	[sflag:s18] =	ssyncset.done $0x0  }
0xca: {  	s12 =	simm.s32 $0x14080;
	[sflag:s18] =	ssyncadd.s32 $0xFFFFC180  }
0xcb: {  	[tilespmem:s20], [sflag:$0x2] =	stream.indirect.gather [hbm4b:s1+s16], $0x80, s12, s16, $0xb8;
	[tilespmem:$0x1C800] =	vst v63  }
0xcc: {  	_ = 	snop  }
0xcd: {  	[spmem:s4] =	stream.indirect.scatter.add.f32 [tilespmem:s17], [sflag:$0x3], $0x80, s15, s16, $0xb8;
	[tilespmem:$0x1C800] =	vst v63  }
0xce: {  	_ =	swait.ge [sflag:s13], $0x3E80  }
0xcf: {  	[sflag:s13] =	ssyncset.done $0x0  }
0xd0: {  	[sflag:s13] =	ssyncadd.s32 $0xFFFFC180  }
0xd1: {  	_ =	swait.ge [sflag:s21], $0x3E80  }
0xd2: {  	[sflag:s21] =	ssyncset.done $0x0  }
0xd3: {  	s0 =	simm.s32 $0x14100;
	[sflag:s21] =	ssyncadd.s32 $0xFFFFC180  }
0xd4: {  	[tilespmem:s17], [sflag:$0x1] =	stream.indirect.gather [hbm4b:s1+s16], $0x80, s0, s16, $0xb8;
	[tilespmem:$0x1C800] =	vst v63  }
0xd5: {  	s2 =	simm.s32 $0x14480  }
0xd6: {  	[spmem:s4] =	stream.indirect.scatter.add.f32 [tilespmem:s20], [sflag:$0x3], $0x80, s2, s16, $0xb8;
	[tilespmem:$0x1C800] =	vst v63  }
0xd7: {  	_ =	swait.ge [sflag:s13], $0x3E80  }
0xd8: {  	[sflag:s13] =	ssyncset.done $0x0  }
0xd9: {  	[sflag:s13] =	ssyncadd.s32 $0xFFFFC180  }
0xda: {  	_ =	swait.ge [sflag:s18], $0x3E80  }
0xdb: {  	[sflag:s18] =	ssyncset.done $0x0  }
0xdc: {  	s3 =	simm.s32 $0x14180;
	[sflag:s18] =	ssyncadd.s32 $0xFFFFC180  }
0xdd: {  	[tilespmem:s20], [sflag:$0x2] =	stream.indirect.gather [hbm4b:s1+s16], $0x80, s3, s16, $0xb8;
	[tilespmem:$0x1C800] =	vst v63  }
0xde: {  	s8 =	simm.s32 $0x14500  }
0xdf: {  	[spmem:s4] =	stream.indirect.scatter.add.f32 [tilespmem:s17], [sflag:$0x3], $0x80, s8, s16, $0xb8;
	[tilespmem:$0x1C800] =	vst v63  }
0xe0: {  	_ =	swait.ge [sflag:s13], $0x3E80  }
0xe1: {  	[sflag:s13] =	ssyncset.done $0x0  }
0xe2: {  	[sflag:s13] =	ssyncadd.s32 $0xFFFFC180  }
0xe3: {  	_ =	swait.ge [sflag:s21], $0x3E80  }
0xe4: {  	[sflag:s21] =	ssyncset.done $0x0  }
0xe5: {  	s19 =	simm.s32 $0x14200;
	[sflag:s21] =	ssyncadd.s32 $0xFFFFC180  }
0xe6: {  	[tilespmem:s17], [sflag:$0x1] =	stream.indirect.gather [hbm4b:s1+s16], $0x80, s19, s16, $0xb8;
	[tilespmem:$0x1C800] =	vst v63  }
0xe7: {  	s30 =	simm.s32 $0x14580  }
0xe8: {  	[spmem:s4] =	stream.indirect.scatter.add.f32 [tilespmem:s20], [sflag:$0x3], $0x80, s30, s16, $0xb8;
	[tilespmem:$0x1C800] =	vst v63  }
0xe9: {  	_ =	swait.ge [sflag:s13], $0x3E80  }
0xea: {  	[sflag:s13] =	ssyncset.done $0x0  }
0xeb: {  	[sflag:s13] =	ssyncadd.s32 $0xFFFFC180  }
0xec: {  	_ =	swait.ge [sflag:s18], $0x3E80  }
0xed: {  	[sflag:s18] =	ssyncset.done $0x0  }
0xee: {  	s31 =	simm.s32 $0x14280;
	[sflag:s18] =	ssyncadd.s32 $0xFFFFC180  }
0xef: {  	[tilespmem:s20], [sflag:$0x2] =	stream.indirect.gather [hbm4b:s1+s16], $0x80, s31, s16, $0xb8;
	[tilespmem:$0x1C800] =	vst v63  }
0xf0: {  	s23 =	simm.s32 $0x14600  }
0xf1: {  	[spmem:s4] =	stream.indirect.scatter.add.f32 [tilespmem:s17], [sflag:$0x3], $0x80, s23, s16, $0xb8;
	[tilespmem:$0x1C800] =	vst v63  }
0xf2: {  	_ =	swait.ge [sflag:s13], $0x3E80  }
0xf3: {  	[sflag:s13] =	ssyncset.done $0x0  }
0xf4: {  	[sflag:s13] =	ssyncadd.s32 $0xFFFFC180  }
0xf5: {  	_ =	swait.ge [sflag:s21], $0x3E80  }
0xf6: {  	[sflag:s21] =	ssyncset.done $0x0  }
0xf7: {  	s24 =	simm.s32 $0x14300;
	[sflag:s21] =	ssyncadd.s32 $0xFFFFC180  }
0xf8: {  	[tilespmem:s17], [sflag:$0x1] =	stream.indirect.gather [hbm4b:s1+s16], $0x80, s24, s16, $0xb8;
	[tilespmem:$0x1C800] =	vst v63  }
0xf9: {  	s25 =	simm.s32 $0x14680  }
0xfa: {  	[spmem:s4] =	stream.indirect.scatter.add.f32 [tilespmem:s20], [sflag:$0x3], $0x80, s25, s16, $0xb8;
	[tilespmem:$0x1C800] =	vst v63  }
0xfb: {  	_ =	swait.ge [sflag:s13], $0x3E80  }
0xfc: {  	[sflag:s13] =	ssyncset.done $0x0  }
0xfd: {  	[sflag:s13] =	ssyncadd.s32 $0xFFFFC180  }
0xfe: {  	_ =	swait.ge [sflag:s18], $0x3E80  }
0xff: {  	[sflag:s18] =	ssyncset.done $0x0  }
0x100: {  	s26 =	simm.s32 $0x14380;
	[sflag:s18] =	ssyncadd.s32 $0xFFFFC180  }
0x101: {  	[tilespmem:s20], [sflag:$0x2] =	stream.indirect.gather [hbm4b:s1+s16], $0x80, s26, s16, $0xb8;
	[tilespmem:$0x1C800] =	vst v63  }
0x102: {  	s7 =	simm.s32 $0x14700  }
0x103: {  	[spmem:s4] =	stream.indirect.scatter.add.f32 [tilespmem:s17], [sflag:$0x3], $0x80, s7, s16, $0xb8;
	[tilespmem:$0x1C800] =	vst v63  }
0x104: {  	_ =	swait.ge [sflag:s13], $0x3E80  }
0x105: {  	[sflag:s13] =	ssyncset.done $0x0  }
0x106: {  	[sflag:s13] =	ssyncadd.s32 $0xFFFFC180  }
0x107: {  	_ =	swait.ge [sflag:s21], $0x3E80  }
0x108: {  	[sflag:s21] =	ssyncset.done $0x0  }
0x109: {  	s9 =	simm.s32 $0x14780;
	[sflag:s21] =	ssyncadd.s32 $0xFFFFC180  }
0x10a: {  	[spmem:s4] =	stream.indirect.scatter.add.f32 [tilespmem:s20], [sflag:$0x3], $0x80, s9, s16, $0xb8;
	[tilespmem:$0x1C800] =	vst v63  }
0x10b: {  	_ =	swait.ge [sflag:s13], $0x3E80  }
0x10c: {  	[sflag:s13] =	ssyncset.done $0x0  }
0x10d: {  	[sflag:s13] =	ssyncadd.s32 $0xFFFFC180  }
0x10e: {  	[bflag:$0x0] =	sbarrier.arrive $0xFFFF  }
0x10f: {  	s10 =	rddreg [dreg:$0x9]  }
0x110: {  	s22 =	rddreg [dreg:$0xa]  }
0x111: {  	s23 =	rddreg [dreg:$0xd]  }
0x112: {  	[hbm:s22], [sflag:s10] =	dma.local [spmem:s23], $0x2800  }
0x113: {  	_ =	swait.ge [sflag:s13], $0x2800  }
0x114: {  	[sflag:s13] =	ssyncset.done $0x0  }
0x115: {  	[sflag:s13] =	ssyncadd.s32 $0xFFFFD800  }
0x116: {  	[bflag:$0x0] =	sbarrier.arrive $0xFFFF  }
0x117: {  	s24 =	rddreg [dreg:$0x2]  }
0x118: {  	[spmem:s23], [sflag:s10] =	dma.local [hbm:s24], $0x2800  }
0x119: {  	_ =	swait.ge [sflag:s13], $0x2800  }
0x11a: {  	[sflag:s13] =	ssyncset.done $0x0  }
0x11b: {  	[sflag:s13] =	ssyncadd.s32 $0xFFFFD800  }
0x11c: {  	[bflag:$0x0] =	sbarrier.arrive $0xFFFF  }
0x11d: {  	s10 =	rddreg [dreg:$0x8]  }
0x11e: {  	s25 =	sadd.s32 $0x0, s10  }
0x11f: {  	[tilespmem:s14], [sflag:$0x3] =	stream.linear.gather [hbm4b:s25+s5], $0x400, $0x38;
	[tilespmem:$0x1C800] =	vst v63  }
0x120: {  	_ =	swait.ge [sflag:s13], $0x400  }
0x121: {  	s26 =	rddreg [dreg:$0x7];
	[sflag:s13] =	ssyncset.done $0x0  }
0x122: {  	[sflag:s13] =	ssyncadd.s32 $0xFFFFFC00;
	s6 =	sadd.s32 $0x0, s26  }
0x123: {  	[tilespmem:s15], [sflag:$0x3] =	stream.linear.gather [hbm4b:s6+s5], $0x400, $0x38;
	[tilespmem:$0x1C800] =	vst v63  }
0x124: {  	_ =	swait.ge [sflag:s13], $0x400  }
0x125: {  	[sflag:s13] =	ssyncset.done $0x0  }
0x126: {  	[sflag:s13] =	ssyncadd.s32 $0xFFFFFC00  }
0x127: {  	[tilespmem:s17], [sflag:$0x1] =	stream.indirect.gather [hbm4b:s1+s16], $0x80, s14, s16, $0xb8;
	[tilespmem:$0x1C800] =	vst v63  }
0x128: {  	_ =	swait.ge [sflag:s18], $0x3E80  }
0x129: {  	[sflag:s18] =	ssyncset.done $0x0  }
0x12a: {  	[sflag:s18] =	ssyncadd.s32 $0xFFFFC180  }
0x12b: {  	[tilespmem:s20], [sflag:$0x2] =	stream.indirect.gather [hbm4b:s1+s16], $0x80, s12, s16, $0xb8;
	[tilespmem:$0x1C800] =	vst v63  }
0x12c: {  	_ = 	snop  }
0x12d: {  	[spmem:s4] =	stream.indirect.scatter.add.f32 [tilespmem:s17], [sflag:$0x3], $0x80, s15, s16, $0xb8;
	[tilespmem:$0x1C800] =	vst v63  }
0x12e: {  	_ =	swait.ge [sflag:s13], $0x3E80  }
0x12f: {  	[sflag:s13] =	ssyncset.done $0x0  }
0x130: {  	[sflag:s13] =	ssyncadd.s32 $0xFFFFC180  }
0x131: {  	_ =	swait.ge [sflag:s21], $0x3E80  }
0x132: {  	[sflag:s21] =	ssyncset.done $0x0  }
0x133: {  	[sflag:s21] =	ssyncadd.s32 $0xFFFFC180  }
0x134: {  	[tilespmem:s17], [sflag:$0x1] =	stream.indirect.gather [hbm4b:s1+s16], $0x80, s0, s16, $0xb8;
	[tilespmem:$0x1C800] =	vst v63  }
0x135: {  	_ = 	snop  }
0x136: {  	[spmem:s4] =	stream.indirect.scatter.add.f32 [tilespmem:s20], [sflag:$0x3], $0x80, s2, s16, $0xb8;
	[tilespmem:$0x1C800] =	vst v63  }
0x137: {  	_ =	swait.ge [sflag:s13], $0x3E80  }
0x138: {  	[sflag:s13] =	ssyncset.done $0x0  }
0x139: {  	[sflag:s13] =	ssyncadd.s32 $0xFFFFC180  }
0x13a: {  	_ =	swait.ge [sflag:s18], $0x3E80  }
0x13b: {  	[sflag:s18] =	ssyncset.done $0x0  }
0x13c: {  	[sflag:s18] =	ssyncadd.s32 $0xFFFFC180  }
0x13d: {  	[tilespmem:s20], [sflag:$0x2] =	stream.indirect.gather [hbm4b:s1+s16], $0x80, s3, s16, $0xb8;
	[tilespmem:$0x1C800] =	vst v63  }
0x13e: {  	_ = 	snop  }
0x13f: {  	[spmem:s4] =	stream.indirect.scatter.add.f32 [tilespmem:s17], [sflag:$0x3], $0x80, s8, s16, $0xb8;
	[tilespmem:$0x1C800] =	vst v63  }
0x140: {  	_ =	swait.ge [sflag:s13], $0x3E80  }
0x141: {  	[sflag:s13] =	ssyncset.done $0x0  }
0x142: {  	[sflag:s13] =	ssyncadd.s32 $0xFFFFC180  }
0x143: {  	_ =	swait.ge [sflag:s21], $0x3E80  }
0x144: {  	[sflag:s21] =	ssyncset.done $0x0  }
0x145: {  	[sflag:s21] =	ssyncadd.s32 $0xFFFFC180  }
0x146: {  	[tilespmem:s17], [sflag:$0x1] =	stream.indirect.gather [hbm4b:s1+s16], $0x80, s19, s16, $0xb8;
	[tilespmem:$0x1C800] =	vst v63  }
0x147: {  	_ = 	snop  }
0x148: {  	[spmem:s4] =	stream.indirect.scatter.add.f32 [tilespmem:s20], [sflag:$0x3], $0x80, s30, s16, $0xb8;
	[tilespmem:$0x1C800] =	vst v63  }
0x149: {  	_ =	swait.ge [sflag:s13], $0x3E80  }
0x14a: {  	[sflag:s13] =	ssyncset.done $0x0  }
0x14b: {  	[sflag:s13] =	ssyncadd.s32 $0xFFFFC180  }
0x14c: {  	_ =	swait.ge [sflag:s18], $0x3E80  }
0x14d: {  	[sflag:s18] =	ssyncset.done $0x0  }
0x14e: {  	[sflag:s18] =	ssyncadd.s32 $0xFFFFC180  }
0x14f: {  	[tilespmem:s20], [sflag:$0x2] =	stream.indirect.gather [hbm4b:s1+s16], $0x80, s31, s16, $0xb8;
	[tilespmem:$0x1C800] =	vst v63  }
0x150: {  	s3 =	simm.s32 $0x14600  }
0x151: {  	[spmem:s4] =	stream.indirect.scatter.add.f32 [tilespmem:s17], [sflag:$0x3], $0x80, s3, s16, $0xb8;
	[tilespmem:$0x1C800] =	vst v63  }
0x152: {  	_ =	swait.ge [sflag:s13], $0x3E80  }
0x153: {  	[sflag:s13] =	ssyncset.done $0x0  }
0x154: {  	[sflag:s13] =	ssyncadd.s32 $0xFFFFC180  }
0x155: {  	_ =	swait.ge [sflag:s21], $0x3E80  }
0x156: {  	[sflag:s21] =	ssyncset.done $0x0  }
0x157: {  	s6 =	simm.s32 $0x14300;
	[sflag:s21] =	ssyncadd.s32 $0xFFFFC180  }
0x158: {  	[tilespmem:s17], [sflag:$0x1] =	stream.indirect.gather [hbm4b:s1+s16], $0x80, s6, s16, $0xb8;
	[tilespmem:$0x1C800] =	vst v63  }
0x159: {  	s7 =	simm.s32 $0x14680  }
0x15a: {  	[spmem:s4] =	stream.indirect.scatter.add.f32 [tilespmem:s20], [sflag:$0x3], $0x80, s7, s16, $0xb8;
	[tilespmem:$0x1C800] =	vst v63  }
0x15b: {  	_ =	swait.ge [sflag:s13], $0x3E80  }
0x15c: {  	[sflag:s13] =	ssyncset.done $0x0  }
0x15d: {  	[sflag:s13] =	ssyncadd.s32 $0xFFFFC180  }
0x15e: {  	_ =	swait.ge [sflag:s18], $0x3E80  }
0x15f: {  	[sflag:s18] =	ssyncset.done $0x0  }
0x160: {  	s8 =	simm.s32 $0x14380;
	[sflag:s18] =	ssyncadd.s32 $0xFFFFC180  }
0x161: {  	[tilespmem:s20], [sflag:$0x2] =	stream.indirect.gather [hbm4b:s1+s16], $0x80, s8, s16, $0xb8;
	[tilespmem:$0x1C800] =	vst v63  }
0x162: {  	s28 =	simm.s32 $0x14200;
	s9 =	simm.s32 $0x14700  }
0x163: {  	[spmem:s4] =	stream.indirect.scatter.add.f32 [tilespmem:s17], [sflag:$0x3], $0x80, s9, s16, $0xb8;
	[tilespmem:$0x1C800] =	vst v63  }
0x164: {  	s29 =	simm.s32 $0x14580;
	s22 =	simm.s32 $0x14080;
	_ =	swait.ge [sflag:s13], $0x3E80  }
0x165: {  	s23 =	simm.s32 $0x14100;
	s24 =	simm.s32 $0x14480;
	[sflag:s13] =	ssyncset.done $0x0  }
0x166: {  	s25 =	simm.s32 $0x14180;
	s26 =	simm.s32 $0x14500;
	[sflag:s13] =	ssyncadd.s32 $0xFFFFC180  }
0x167: {  	s12 =	simm.s32 $0x14780;
	s0 =	simm.s32 $0x14300;
	_ =	swait.ge [sflag:s21], $0x3E80  }
0x168: {  	s2 =	simm.s32 $0x14380;
	s19 =	simm.s32 $0x14780;
	[sflag:s21] =	ssyncset.done $0x0  }
0x169: {  	s30 =	simm.s32 $0x14280;
	s31 =	simm.s32 $0x14600;
	[sflag:s21] =	ssyncadd.s32 $0xFFFFC180  }
0x16a: {  	[spmem:s4] =	stream.indirect.scatter.add.f32 [tilespmem:s20], [sflag:$0x3], $0x80, s12, s16, $0xb8;
	[tilespmem:$0x1C800] =	vst v63  }
0x16b: {  	s3 =	simm.s32 $0x14680;
	s7 =	simm.s32 $0x80;
	_ =	swait.ge [sflag:s13], $0x3E80  }
0x16c: {  	s8 =	simm.s32 $0x14700;
	s12 =	simm.s32 $0x100;
	[sflag:s13] =	ssyncset.done $0x0  }
.LBB2_4:
0x16d: {  	s9 =	sadd.s32 s7, s10;
	[sflag:s13] =	ssyncadd.s32 $0xFFFFC180  }
0x16e: {  	[tilespmem:s14], [sflag:$0x3] =	stream.linear.gather [hbm4b:s9+s5], $0x400, $0x38;
	[tilespmem:$0x1C800] =	vst v63  }
0x16f: {  	s10 =	smov.u32 s12;
	s6 =	sadd.s32 $0x80, s12;
	_ =	swait.ge [sflag:s13], $0x400  }
0x170: {  	p0 =	sne.s32 s12, $0x980;
	s12 =	rddreg [dreg:$0x7];
	[sflag:s13] =	ssyncset.done $0x0  }
0x171: {  	[sflag:s13] =	ssyncadd.s32 $0xFFFFFC00;
	s9 =	sadd.s32 s7, s12  }
0x172: {  	[tilespmem:s15], [sflag:$0x3] =	stream.linear.gather [hbm4b:s9+s5], $0x400, $0x38;
	[tilespmem:$0x1C800] =	vst v63  }
0x173: {  	s7 =	smov.u32 s10;
	s10 =	rddreg [dreg:$0x8];
	_ =	swait.ge [sflag:s13], $0x400  }
0x174: {  	[sflag:s13] =	ssyncset.done $0x0  }
0x175: {  	[sflag:s13] =	ssyncadd.s32 $0xFFFFFC00  }
0x176: {  	[tilespmem:s17], [sflag:$0x1] =	stream.indirect.gather [hbm4b:s1+s16], $0x80, s14, s16, $0xb8;
	[tilespmem:$0x1C800] =	vst v63  }
0x177: {  	_ =	swait.ge [sflag:s18], $0x3E80  }
0x178: {  	[sflag:s18] =	ssyncset.done $0x0  }
0x179: {  	[sflag:s18] =	ssyncadd.s32 $0xFFFFC180  }
0x17a: {  	[tilespmem:s20], [sflag:$0x2] =	stream.indirect.gather [hbm4b:s1+s16], $0x80, s22, s16, $0xb8;
	[tilespmem:$0x1C800] =	vst v63  }
0x17b: {  	_ = 	snop  }
0x17c: {  	[spmem:s4] =	stream.indirect.scatter.add.f32 [tilespmem:s17], [sflag:$0x3], $0x80, s15, s16, $0xb8;
	[tilespmem:$0x1C800] =	vst v63  }
0x17d: {  	_ =	swait.ge [sflag:s13], $0x3E80  }
0x17e: {  	[sflag:s13] =	ssyncset.done $0x0  }
0x17f: {  	[sflag:s13] =	ssyncadd.s32 $0xFFFFC180  }
0x180: {  	_ =	swait.ge [sflag:s21], $0x3E80  }
0x181: {  	[sflag:s21] =	ssyncset.done $0x0  }
0x182: {  	[sflag:s21] =	ssyncadd.s32 $0xFFFFC180  }
0x183: {  	[tilespmem:s17], [sflag:$0x1] =	stream.indirect.gather [hbm4b:s1+s16], $0x80, s23, s16, $0xb8;
	[tilespmem:$0x1C800] =	vst v63  }
0x184: {  	_ = 	snop  }
0x185: {  	[spmem:s4] =	stream.indirect.scatter.add.f32 [tilespmem:s20], [sflag:$0x3], $0x80, s24, s16, $0xb8;
	[tilespmem:$0x1C800] =	vst v63  }
0x186: {  	_ =	swait.ge [sflag:s13], $0x3E80  }
0x187: {  	[sflag:s13] =	ssyncset.done $0x0  }
0x188: {  	[sflag:s13] =	ssyncadd.s32 $0xFFFFC180  }
0x189: {  	_ =	swait.ge [sflag:s18], $0x3E80  }
0x18a: {  	[sflag:s18] =	ssyncset.done $0x0  }
0x18b: {  	[sflag:s18] =	ssyncadd.s32 $0xFFFFC180  }
0x18c: {  	[tilespmem:s20], [sflag:$0x2] =	stream.indirect.gather [hbm4b:s1+s16], $0x80, s25, s16, $0xb8;
	[tilespmem:$0x1C800] =	vst v63  }
0x18d: {  	_ = 	snop  }
0x18e: {  	[spmem:s4] =	stream.indirect.scatter.add.f32 [tilespmem:s17], [sflag:$0x3], $0x80, s26, s16, $0xb8;
	[tilespmem:$0x1C800] =	vst v63  }
0x18f: {  	_ =	swait.ge [sflag:s13], $0x3E80  }
0x190: {  	[sflag:s13] =	ssyncset.done $0x0  }
0x191: {  	[sflag:s13] =	ssyncadd.s32 $0xFFFFC180  }
0x192: {  	_ =	swait.ge [sflag:s21], $0x3E80  }
0x193: {  	[sflag:s21] =	ssyncset.done $0x0  }
0x194: {  	[sflag:s21] =	ssyncadd.s32 $0xFFFFC180  }
0x195: {  	[tilespmem:s17], [sflag:$0x1] =	stream.indirect.gather [hbm4b:s1+s16], $0x80, s28, s16, $0xb8;
	[tilespmem:$0x1C800] =	vst v63  }
0x196: {  	_ = 	snop  }
0x197: {  	[spmem:s4] =	stream.indirect.scatter.add.f32 [tilespmem:s20], [sflag:$0x3], $0x80, s29, s16, $0xb8;
	[tilespmem:$0x1C800] =	vst v63  }
0x198: {  	_ =	swait.ge [sflag:s13], $0x3E80  }
0x199: {  	[sflag:s13] =	ssyncset.done $0x0  }
0x19a: {  	[sflag:s13] =	ssyncadd.s32 $0xFFFFC180  }
0x19b: {  	_ =	swait.ge [sflag:s18], $0x3E80  }
0x19c: {  	[sflag:s18] =	ssyncset.done $0x0  }
0x19d: {  	[sflag:s18] =	ssyncadd.s32 $0xFFFFC180  }
0x19e: {  	[tilespmem:s20], [sflag:$0x2] =	stream.indirect.gather [hbm4b:s1+s16], $0x80, s30, s16, $0xb8;
	[tilespmem:$0x1C800] =	vst v63  }
0x19f: {  	_ = 	snop  }
0x1a0: {  	[spmem:s4] =	stream.indirect.scatter.add.f32 [tilespmem:s17], [sflag:$0x3], $0x80, s31, s16, $0xb8;
	[tilespmem:$0x1C800] =	vst v63  }
0x1a1: {  	_ =	swait.ge [sflag:s13], $0x3E80  }
0x1a2: {  	[sflag:s13] =	ssyncset.done $0x0  }
0x1a3: {  	[sflag:s13] =	ssyncadd.s32 $0xFFFFC180  }
0x1a4: {  	_ =	swait.ge [sflag:s21], $0x3E80  }
0x1a5: {  	[sflag:s21] =	ssyncset.done $0x0  }
0x1a6: {  	[sflag:s21] =	ssyncadd.s32 $0xFFFFC180  }
0x1a7: {  	[tilespmem:s17], [sflag:$0x1] =	stream.indirect.gather [hbm4b:s1+s16], $0x80, s0, s16, $0xb8;
	[tilespmem:$0x1C800] =	vst v63  }
0x1a8: {  	_ = 	snop  }
0x1a9: {  	[spmem:s4] =	stream.indirect.scatter.add.f32 [tilespmem:s20], [sflag:$0x3], $0x80, s3, s16, $0xb8;
	[tilespmem:$0x1C800] =	vst v63  }
0x1aa: {  	_ =	swait.ge [sflag:s13], $0x3E80  }
0x1ab: {  	[sflag:s13] =	ssyncset.done $0x0  }
0x1ac: {  	[sflag:s13] =	ssyncadd.s32 $0xFFFFC180  }
0x1ad: {  	_ =	swait.ge [sflag:s18], $0x3E80  }
0x1ae: {  	[sflag:s18] =	ssyncset.done $0x0  }
0x1af: {  	[sflag:s18] =	ssyncadd.s32 $0xFFFFC180  }
0x1b0: {  	[tilespmem:s20], [sflag:$0x2] =	stream.indirect.gather [hbm4b:s1+s16], $0x80, s2, s16, $0xb8;
	[tilespmem:$0x1C800] =	vst v63  }
0x1b1: {  	_ = 	snop  }
0x1b2: {  	[spmem:s4] =	stream.indirect.scatter.add.f32 [tilespmem:s17], [sflag:$0x3], $0x80, s8, s16, $0xb8;
	[tilespmem:$0x1C800] =	vst v63  }
0x1b3: {  	_ =	swait.ge [sflag:s13], $0x3E80  }
0x1b4: {  	[sflag:s13] =	ssyncset.done $0x0  }
0x1b5: {  	[sflag:s13] =	ssyncadd.s32 $0xFFFFC180  }
0x1b6: {  	_ =	swait.ge [sflag:s21], $0x3E80  }
.Ltmp1:
0x1b7: {  	[sflag:s21] =	ssyncset.done $0x0;
	(pc) =	sbr.rel @p0 .LBB2_4-.Ltmp1, $4  }
0x1b8: {  	[sflag:s21] =	ssyncadd.s32 $0xFFFFC180  }
0x1b9: {  	[spmem:s4] =	stream.indirect.scatter.add.f32 [tilespmem:s20], [sflag:$0x3], $0x80, s19, s16, $0xb8;
	[tilespmem:$0x1C800] =	vst v63  }
0x1ba: {  	_ =	swait.ge [sflag:s13], $0x3E80  }
0x1bb: {  	s12 =	smov.u32 s6;
	[sflag:s13] =	ssyncset.done $0x0  }
0x1bc: {  	s6 =	sadd.s32 s7, s10;
	[sflag:s13] =	ssyncadd.s32 $0xFFFFC180  }
0x1bd: {  	[tilespmem:s14], [sflag:$0x3] =	stream.linear.gather [hbm4b:s6+s5], $0x400, $0x38;
	[tilespmem:$0x1C800] =	vst v63  }
0x1be: {  	_ =	swait.ge [sflag:s13], $0x400  }
0x1bf: {  	s12 =	rddreg [dreg:$0x7];
	[sflag:s13] =	ssyncset.done $0x0  }
0x1c0: {  	s6 =	sadd.s32 s7, s12;
	[sflag:s13] =	ssyncadd.s32 $0xFFFFFC00  }
0x1c1: {  	[tilespmem:s15], [sflag:$0x3] =	stream.linear.gather [hbm4b:s6+s5], $0x400, $0x38;
	[tilespmem:$0x1C800] =	vst v63  }
0x1c2: {  	_ =	swait.ge [sflag:s13], $0x400  }
0x1c3: {  	[sflag:s13] =	ssyncset.done $0x0  }
0x1c4: {  	[sflag:s13] =	ssyncadd.s32 $0xFFFFFC00  }
0x1c5: {  	[tilespmem:s17], [sflag:$0x1] =	stream.indirect.gather [hbm4b:s1+s16], $0x80, s14, s16, $0xb8;
	[tilespmem:$0x1C800] =	vst v63  }
0x1c6: {  	_ =	swait.ge [sflag:s18], $0x3E80  }
0x1c7: {  	[sflag:s18] =	ssyncset.done $0x0  }
0x1c8: {  	[sflag:s18] =	ssyncadd.s32 $0xFFFFC180  }
0x1c9: {  	[tilespmem:s20], [sflag:$0x2] =	stream.indirect.gather [hbm4b:s1+s16], $0x80, s22, s16, $0xb8;
	[tilespmem:$0x1C800] =	vst v63  }
0x1ca: {  	_ = 	snop  }
0x1cb: {  	[spmem:s4] =	stream.indirect.scatter.add.f32 [tilespmem:s17], [sflag:$0x3], $0x80, s15, s16, $0xb8;
	[tilespmem:$0x1C800] =	vst v63  }
0x1cc: {  	_ =	swait.ge [sflag:s13], $0x3E80  }
0x1cd: {  	[sflag:s13] =	ssyncset.done $0x0  }
0x1ce: {  	[sflag:s13] =	ssyncadd.s32 $0xFFFFC180  }
0x1cf: {  	_ =	swait.ge [sflag:s21], $0x3E80  }
0x1d0: {  	[sflag:s21] =	ssyncset.done $0x0  }
0x1d1: {  	[sflag:s21] =	ssyncadd.s32 $0xFFFFC180  }
0x1d2: {  	[tilespmem:s17], [sflag:$0x1] =	stream.indirect.gather [hbm4b:s1+s16], $0x80, s23, s16, $0xb8;
	[tilespmem:$0x1C800] =	vst v63  }
0x1d3: {  	_ = 	snop  }
0x1d4: {  	[spmem:s4] =	stream.indirect.scatter.add.f32 [tilespmem:s20], [sflag:$0x3], $0x80, s24, s16, $0xb8;
	[tilespmem:$0x1C800] =	vst v63  }
0x1d5: {  	_ =	swait.ge [sflag:s13], $0x3E80  }
0x1d6: {  	[sflag:s13] =	ssyncset.done $0x0  }
0x1d7: {  	[sflag:s13] =	ssyncadd.s32 $0xFFFFC180  }
0x1d8: {  	_ =	swait.ge [sflag:s18], $0x3E80  }
0x1d9: {  	[sflag:s18] =	ssyncset.done $0x0  }
0x1da: {  	[sflag:s18] =	ssyncadd.s32 $0xFFFFC180  }
0x1db: {  	[tilespmem:s20], [sflag:$0x2] =	stream.indirect.gather [hbm4b:s1+s16], $0x80, s25, s16, $0xb8;
	[tilespmem:$0x1C800] =	vst v63  }
0x1dc: {  	_ = 	snop  }
0x1dd: {  	[spmem:s4] =	stream.indirect.scatter.add.f32 [tilespmem:s17], [sflag:$0x3], $0x80, s26, s16, $0xb8;
	[tilespmem:$0x1C800] =	vst v63  }
0x1de: {  	_ =	swait.ge [sflag:s13], $0x3E80  }
0x1df: {  	[sflag:s13] =	ssyncset.done $0x0  }
0x1e0: {  	[sflag:s13] =	ssyncadd.s32 $0xFFFFC180  }
0x1e1: {  	_ =	swait.ge [sflag:s21], $0x3E80  }
0x1e2: {  	[sflag:s21] =	ssyncset.done $0x0  }
0x1e3: {  	[sflag:s21] =	ssyncadd.s32 $0xFFFFC180  }
0x1e4: {  	[tilespmem:s17], [sflag:$0x1] =	stream.indirect.gather [hbm4b:s1+s16], $0x80, s28, s16, $0xb8;
	[tilespmem:$0x1C800] =	vst v63  }
0x1e5: {  	_ = 	snop  }
0x1e6: {  	[spmem:s4] =	stream.indirect.scatter.add.f32 [tilespmem:s20], [sflag:$0x3], $0x80, s29, s16, $0xb8;
	[tilespmem:$0x1C800] =	vst v63  }
0x1e7: {  	_ =	swait.ge [sflag:s13], $0x3E80  }
0x1e8: {  	[sflag:s13] =	ssyncset.done $0x0  }
0x1e9: {  	[sflag:s13] =	ssyncadd.s32 $0xFFFFC180  }
0x1ea: {  	_ =	swait.ge [sflag:s18], $0x3E80  }
0x1eb: {  	[sflag:s18] =	ssyncset.done $0x0  }
0x1ec: {  	[sflag:s18] =	ssyncadd.s32 $0xFFFFC180  }
0x1ed: {  	[tilespmem:s20], [sflag:$0x2] =	stream.indirect.gather [hbm4b:s1+s16], $0x80, s30, s16, $0xb8;
	[tilespmem:$0x1C800] =	vst v63  }
0x1ee: {  	_ = 	snop  }
0x1ef: {  	[spmem:s4] =	stream.indirect.scatter.add.f32 [tilespmem:s17], [sflag:$0x3], $0x80, s31, s16, $0xb8;
	[tilespmem:$0x1C800] =	vst v63  }
0x1f0: {  	_ =	swait.ge [sflag:s13], $0x3E80  }
0x1f1: {  	[sflag:s13] =	ssyncset.done $0x0  }
0x1f2: {  	[sflag:s13] =	ssyncadd.s32 $0xFFFFC180  }
0x1f3: {  	_ =	swait.ge [sflag:s21], $0x3E80  }
0x1f4: {  	[sflag:s21] =	ssyncset.done $0x0  }
0x1f5: {  	[sflag:s21] =	ssyncadd.s32 $0xFFFFC180  }
0x1f6: {  	[tilespmem:s17], [sflag:$0x1] =	stream.indirect.gather [hbm4b:s1+s16], $0x80, s0, s16, $0xb8;
	[tilespmem:$0x1C800] =	vst v63  }
0x1f7: {  	_ = 	snop  }
0x1f8: {  	[spmem:s4] =	stream.indirect.scatter.add.f32 [tilespmem:s20], [sflag:$0x3], $0x80, s3, s16, $0xb8;
	[tilespmem:$0x1C800] =	vst v63  }
0x1f9: {  	_ =	swait.ge [sflag:s13], $0x3E80  }
0x1fa: {  	[sflag:s13] =	ssyncset.done $0x0  }
0x1fb: {  	[sflag:s13] =	ssyncadd.s32 $0xFFFFC180  }
0x1fc: {  	_ =	swait.ge [sflag:s18], $0x3E80  }
0x1fd: {  	[sflag:s18] =	ssyncset.done $0x0  }
0x1fe: {  	[sflag:s18] =	ssyncadd.s32 $0xFFFFC180  }
0x1ff: {  	[tilespmem:s20], [sflag:$0x2] =	stream.indirect.gather [hbm4b:s1+s16], $0x80, s2, s16, $0xb8;
	[tilespmem:$0x1C800] =	vst v63  }
0x200: {  	_ = 	snop  }
0x201: {  	[spmem:s4] =	stream.indirect.scatter.add.f32 [tilespmem:s17], [sflag:$0x3], $0x80, s8, s16, $0xb8;
	[tilespmem:$0x1C800] =	vst v63  }
0x202: {  	_ =	swait.ge [sflag:s13], $0x3E80  }
0x203: {  	[sflag:s13] =	ssyncset.done $0x0  }
0x204: {  	[sflag:s13] =	ssyncadd.s32 $0xFFFFC180  }
0x205: {  	_ =	swait.ge [sflag:s21], $0x3E80  }
0x206: {  	[sflag:s21] =	ssyncset.done $0x0  }
0x207: {  	[sflag:s21] =	ssyncadd.s32 $0xFFFFC180  }
0x208: {  	[spmem:s4] =	stream.indirect.scatter.add.f32 [tilespmem:s20], [sflag:$0x3], $0x80, s19, s16, $0xb8;
	[tilespmem:$0x1C800] =	vst v63  }
0x209: {  	_ =	swait.ge [sflag:s13], $0x3E80  }
0x20a: {  	[sflag:s13] =	ssyncset.done $0x0  }
0x20b: {  	[sflag:s13] =	ssyncadd.s32 $0xFFFFC180  }
0x20c: {  	[bflag:$0x0] =	sbarrier.arrive $0xFFFF  }
0x20d: {  	s12 =	rddreg [dreg:$0x9]  }
0x20e: {  	s9 =	rddreg [dreg:$0xb]  }
0x20f: {  	s7 =	rddreg [dreg:$0xd]  }
0x210: {  	[hbm:s9], [sflag:s12] =	dma.local [spmem:s7], $0x2800  }
0x211: {  	_ =	swait.ge [sflag:s13], $0x2800  }
0x212: {  	s9 =	rddreg [dreg:$0xe]  }
0x213: {  	s10 =	rddreg [dreg:$0xc];
	s9 =	sadd.s32 $0x1, s9  }
0x214: {  	p0 =	sne.s32 s9, s10  }
.Ltmp2:
0x215: {  	_ = 	snop;
	(pc) =	sbr.rel @p0 .LBB2_1-.Ltmp2, $4  }
0x216: {  	[sflag:s13] =	ssyncset.done $0x0  }
0x217: {  	[sflag:s13] =	ssyncadd.s32 $0xFFFFD800;
	[dreg:$0xe] =	wrdreg s9  }
0x218: {  	[bflag:$0x0] =	sbarrier.arrive $0xFFFF  }
0x219: {  	s9 =	smov.u32 s11  }
0x21a: {  	_ =	sfence.sel $0x180000  }
0x21b: {  	[bflag:$0x0] =	sbarrier.arrive $0xFFFF  }
0x21c: {  	_ =	strace $0x90000047  }
0x21d: {  	s0 =	stileid.u32;
	[bflag:$0x2] =	sbarrier.arrive $0xFFFF  }
0x21e: {  	p0 =	sne.s32 s0, $0x0;
	s0 =	rddreg [dreg:$0x5]  }
0x21f: {  	s0 =	sadd.s32 @!p0 $0x100000, s0  }
0x220: {  	[sflag:s0] =	ssyncadd.tile.s32 @!p0 $0x1;
	_ =	shalt  }
.Lfunc_end2:
_tile_overlayer_lowered:
.L_overlay_start_2:
0x221: {  	(tag) =	ssettag $0x2  }
0x222: {  	s0 =	rddreg [dreg:$0x0];
	s2 =	stileid.u32  }
0x223: {  	s1 =	rddreg [dreg:$0x1];
	p0 =	sne.s32 s2, $0x0  }
0x224: {  	s3 =	rddreg [dreg:$0x2];
	[bflag:$0x3] =	sbarrier.arrive $0xFFFF;
	s2 =	simm.s32 @!p0 $0x1C03  }
0x225: {  	[timem:s3], [sflag:s2] =	dma.local @!p0 [hbm:s0], s1  }
0x226: {  	s0 =	simm.s32 @!p0 $0x3  }
0x227: {  	_ =	swait.ge @!p0 [sflag:s0], s1  }
0x228: {  	s1 =	ssub.s32 @!p0 $0x0, s1;
	[sflag:s0] =	ssyncset.done @!p0 $0x0  }
0x229: {  	[sflag:s0] =	ssyncadd.s32 @!p0 s1  }
0x22a: {  	[bflag:$0x3] =	sbarrier.arrive $0xFFFF  }
0x22b: {  	_ =	shalt  }

</sc_bundles>
